<compile_context>
chip_gen: v7x
topology: tpu7x:2x2x1
jax: 0.10.2.dev20260603
libtpu: 0.0.44.dev20260713+nightly
codegen_flags: <defaults>
</compile_context>

<pallas_src>
import dataclasses
import functools

import numpy as np
import jax
import jax.numpy as jnp
from jax import lax
from jax.experimental import pallas as pl
from jax.experimental.pallas import tpu as pltpu
from jax.experimental.pallas import tpu_sc as plsc

_F1, _F2 = 263, 480
_K = 6144
_ROWS = 4096
_L = 16
_RB = 4
_STEPS = _K // _L
_NW = 32
_RPW = _ROWS // _NW
_NB = _RPW // _RB

_i = np.arange(_K, dtype=np.int64)
_PERM = ((_F1 * _i + _F2 * _i * _i) % _K).astype(np.int32)


def _compiler_params():
    cp = pltpu.CompilerParams()
    if "needs_layout_passes" in pltpu.CompilerParams.__dataclass_fields__:
        cp = dataclasses.replace(cp, needs_layout_passes=False)
    return cp


@jax.jit
def _sc_interleave(x, idx):
    mesh = plsc.VectorSubcoreMesh(core_axis_name="c", subcore_axis_name="s")

    @functools.partial(
        pl.kernel,
        out_type=jax.ShapeDtypeStruct(x.shape, x.dtype),
        mesh=mesh,
        scratch_types=[
            pltpu.VMEM((_K,), jnp.int32),
            pltpu.VMEM((2, _RB, _K), jnp.float32),
            pltpu.VMEM((2, _RB, _K), jnp.float32),
            pltpu.SemaphoreType.DMA,
            pltpu.SemaphoreType.DMA,
            pltpu.SemaphoreType.DMA,
            pltpu.SemaphoreType.DMA,
        ],
        compiler_params=_compiler_params(),
    )
    def k(x_hbm, idx_hbm, o_hbm, idx_v, in_v, out_v, si0, si1, so0, so1):
        wid = lax.axis_index("s") * 2 + lax.axis_index("c")
        base = wid * _RPW
        pltpu.sync_copy(idx_hbm, idx_v)
        sin = (si0, si1)
        sout = (so0, so1)

        def in_cp(b, buf):
            return pltpu.make_async_copy(
                x_hbm.at[pl.ds(base + b * _RB, _RB)], in_v.at[buf], sin[buf])

        def out_cp(b, buf):
            return pltpu.make_async_copy(
                out_v.at[buf], o_hbm.at[pl.ds(base + b * _RB, _RB)], sout[buf])

        in_cp(0, 0).start()
        in_cp(1, 1).start()

        @pl.loop(0, _NB, step=2)
        def _(b):
            for p in range(2):
                bb = b + p
                in_cp(bb, p).wait()

                @pl.when(bb >= 2)
                def _():
                    out_cp(bb - 2, p).wait()

                @plsc.parallel_loop(0, _STEPS, unroll=8)
                def _(i):
                    col = pl.ds(i * _L, _L)
                    idxs = idx_v[col]
                    bufv = jnp.full((_L,), p, jnp.int32)
                    for r in range(_RB):
                        row = jnp.full((_L,), r, jnp.int32)
                        out_v[p, r, col] = plsc.load_gather(
                            in_v, [bufv, row, idxs])

                out_cp(bb, p).start()

                @pl.when(bb + 2 < _NB)
                def _():
                    in_cp(bb + 2, p).start()

        out_cp(_NB - 2, 0).wait()
        out_cp(_NB - 1, 1).wait()

    return k(x, idx)


def kernel(x):
    return _sc_interleave(x, _PERM)

# --- scband reference (transcript-rebuilt; emitter-appended) ---
"""Pipeline reference for scband-turbo3-gppinterleaver-61727269978304 (READ-ONLY COPY).

The authoritative reference and input builder live on the scoring server;
editing this copy changes nothing except your own understanding.
"""

import jax, jax.numpy as jnp
import numpy as np

# 3GPP TS 36.212 Table 5.1.3-3 QPP coefficients for K=6144
F1, F2 = 263, 480

def _generate_perm_full(frame_size, inverse=False):
    # frame_size == 6144 is an exact supported 3GPP size, so no filtering needed.
    k = frame_size
    i = np.arange(k, dtype=np.int64)  # int64 to avoid overflow in f2*i^2
    perm = (F1 * i + F2 * i * i) % k
    if inverse:
        perm = np.argsort(perm)
    return jnp.asarray(perm.astype(np.int32))


def setup_inputs(seed: int = 0) -> dict:
    key = jax.random.key(seed)
    x = jax.random.normal(key, (4096, 6144), dtype=jnp.float32)
    return {"x": x}


def reference(x):
    frame_size = x.shape[-1]
    perm_seq = _generate_perm_full(frame_size, inverse=False)
    out = jnp.take(x, perm_seq, axis=-1)
    return out

if __name__ == "__main__":
    import jax
    _d = setup_inputs()
    print(jax.jit(kernel)(*tuple(_d.values())))

</pallas_src>

<mosaic_0001>
#map = affine_map<(d0, d1) -> (0, 0)>
#map1 = affine_map<(d0, d1) -> (0)>
module attributes {stable_mosaic.version = 14 : i64} {
  func.func @k(%arg0: i32, %arg1: i32, %arg2: memref<4096x6144xf32, #tpu.memory_space<hbm>>, %arg3: memref<6144xi32, #tpu.memory_space<hbm>>, %arg4: memref<4096x6144xf32, #tpu.memory_space<hbm>>, %arg5: memref<6144xi32, #tpu.memory_space<vmem>>, %arg6: memref<2x4x6144xf32, #tpu.memory_space<vmem>>, %arg7: memref<2x4x6144xf32, #tpu.memory_space<vmem>>, %arg8: memref<!tpu.dma_semaphore, #tpu.memory_space<semaphore_mem>>, %arg9: memref<!tpu.dma_semaphore, #tpu.memory_space<semaphore_mem>>, %arg10: memref<!tpu.dma_semaphore, #tpu.memory_space<semaphore_mem>>, %arg11: memref<!tpu.dma_semaphore, #tpu.memory_space<semaphore_mem>>) attributes {dimension_semantics = [#tpu.dimension_semantics<core_parallel>, #tpu.dimension_semantics<subcore_parallel>], iteration_bounds = array<i64: 2, 16>, scalar_prefetch = 0 : i64, scratch_operands = 7 : i64, tpu.core_type = #tpu.core_type<sc_vector_subcore>, window_params = [{transform_indices = #map}, {transform_indices = #map1}, {transform_indices = #map}]} {
    %mul3A = arith.constant 2 : i32
    %mul3A_0 = arith.muli %arg1, %mul3A : i32
    %add3A = arith.addi %mul3A_0, %arg0 : i32
    %mul3A_1 = arith.constant 128 : i32
    %mul3A_2 = arith.muli %add3A, %mul3A_1 : i32
    "tpu.region"() ({
      %run_scoped3A = tpu.sem_alloc : memref<!tpu.dma_semaphore, #tpu.memory_space<semaphore_mem>>
      tpu.enqueue_dma source(%arg3 : memref<6144xi32, #tpu.memory_space<hbm>>) target(%arg5 : memref<6144xi32, #tpu.memory_space<vmem>>) target_semaphore(%run_scoped3A : memref<!tpu.dma_semaphore, #tpu.memory_space<semaphore_mem>>)
      tpu.wait_dma2 semaphore(%run_scoped3A : memref<!tpu.dma_semaphore, #tpu.memory_space<semaphore_mem>>) src(%arg3 : memref<6144xi32, #tpu.memory_space<hbm>>) dst(%arg5 : memref<6144xi32, #tpu.memory_space<vmem>>)
      tpu.yield
    }) : () -> ()
    %add3A_3 = arith.constant 0 : i32
    %add3A_4 = arith.addi %mul3A_2, %add3A_3 : i32
    %dma_start3A = arith.constant 0 : i32
    %dma_start3A_5 = arith.constant 0 : i32
    %dma_start3A_6 = arith.constant 0 : i32
    %dma_start3A_7 = tpu.memref_slice %arg6[%dma_start3A, %dma_start3A_5, %dma_start3A_6] : memref<2x4x6144xf32, #tpu.memory_space<vmem>> -> memref<1x4x6144xf32, #tpu.memory_space<vmem>>
    %dma_start3A_8 = tpu.memref_squeeze %dma_start3A_7 : memref<1x4x6144xf32, #tpu.memory_space<vmem>> -> memref<4x6144xf32, #tpu.memory_space<vmem>>
    %dma_start3A_9 = arith.constant 0 : i32
    %dma_start3A_10 = tpu.memref_slice %arg2[%add3A_4, %dma_start3A_9] : memref<4096x6144xf32, #tpu.memory_space<hbm>> -> memref<4x6144xf32, #tpu.memory_space<hbm>>
    %dma_start3A_11 = arith.constant 0 : i32
    %dma_start3A_12 = arith.constant 0 : i32
    %dma_start3A_13 = tpu.memref_slice %arg6[%dma_start3A, %dma_start3A_11, %dma_start3A_12] : memref<2x4x6144xf32, #tpu.memory_space<vmem>> -> memref<1x4x6144xf32, #tpu.memory_space<vmem>>
    %dma_start3A_14 = tpu.memref_squeeze %dma_start3A_13 : memref<1x4x6144xf32, #tpu.memory_space<vmem>> -> memref<4x6144xf32, #tpu.memory_space<vmem>>
    %dma_start3A_15 = arith.constant 0 : i32
    %dma_start3A_16 = tpu.memref_slice %arg2[%add3A_4, %dma_start3A_15] : memref<4096x6144xf32, #tpu.memory_space<hbm>> -> memref<4x6144xf32, #tpu.memory_space<hbm>>
    tpu.enqueue_dma source(%dma_start3A_16 : memref<4x6144xf32, #tpu.memory_space<hbm>>) target(%dma_start3A_14 : memref<4x6144xf32, #tpu.memory_space<vmem>>) target_semaphore(%arg8 : memref<!tpu.dma_semaphore, #tpu.memory_space<semaphore_mem>>)
    %add3A_17 = arith.constant 4 : i32
    %add3A_18 = arith.addi %mul3A_2, %add3A_17 : i32
    %dma_start3A_19 = arith.constant 1 : i32
    %dma_start3A_20 = arith.constant 0 : i32
    %dma_start3A_21 = arith.constant 0 : i32
    %dma_start3A_22 = tpu.memref_slice %arg6[%dma_start3A_19, %dma_start3A_20, %dma_start3A_21] : memref<2x4x6144xf32, #tpu.memory_space<vmem>> -> memref<1x4x6144xf32, #tpu.memory_space<vmem>>
    %dma_start3A_23 = tpu.memref_squeeze %dma_start3A_22 : memref<1x4x6144xf32, #tpu.memory_space<vmem>> -> memref<4x6144xf32, #tpu.memory_space<vmem>>
    %dma_start3A_24 = arith.constant 0 : i32
    %dma_start3A_25 = tpu.memref_slice %arg2[%add3A_18, %dma_start3A_24] : memref<4096x6144xf32, #tpu.memory_space<hbm>> -> memref<4x6144xf32, #tpu.memory_space<hbm>>
    %dma_start3A_26 = arith.constant 0 : i32
    %dma_start3A_27 = arith.constant 0 : i32
    %dma_start3A_28 = tpu.memref_slice %arg6[%dma_start3A_19, %dma_start3A_26, %dma_start3A_27] : memref<2x4x6144xf32, #tpu.memory_space<vmem>> -> memref<1x4x6144xf32, #tpu.memory_space<vmem>>
    %dma_start3A_29 = tpu.memref_squeeze %dma_start3A_28 : memref<1x4x6144xf32, #tpu.memory_space<vmem>> -> memref<4x6144xf32, #tpu.memory_space<vmem>>
    %dma_start3A_30 = arith.constant 0 : i32
    %dma_start3A_31 = tpu.memref_slice %arg2[%add3A_18, %dma_start3A_30] : memref<4096x6144xf32, #tpu.memory_space<hbm>> -> memref<4x6144xf32, #tpu.memory_space<hbm>>
    tpu.enqueue_dma source(%dma_start3A_31 : memref<4x6144xf32, #tpu.memory_space<hbm>>) target(%dma_start3A_29 : memref<4x6144xf32, #tpu.memory_space<vmem>>) target_semaphore(%arg9 : memref<!tpu.dma_semaphore, #tpu.memory_space<semaphore_mem>>)
    %scan3A = arith.constant 0 : i32
    %scan3A_32 = arith.constant 16 : i32
    %scan3A_33 = arith.addi %scan3A, %scan3A_32 : i32
    %scan3A_34 = arith.constant 1 : i32
    scf.for %scan3A_65 = %scan3A to %scan3A_33 step %scan3A_34  : i32 {
      %mul3A_66 = arith.constant 2 : i32
      %mul3A_67 = arith.muli %scan3A_65, %mul3A_66 : i32
      %add3A_68 = arith.constant 0 : i32
      %add3A_69 = arith.addi %add3A_68, %mul3A_67 : i32
      %add3A_70 = arith.constant 0 : i32
      %add3A_71 = arith.addi %add3A_69, %add3A_70 : i32
      %mul3A_72 = arith.constant 4 : i32
      %mul3A_73 = arith.muli %add3A_71, %mul3A_72 : i32
      %add3A_74 = arith.addi %mul3A_2, %mul3A_73 : i32
      %dma_wait3A_75 = arith.constant 0 : i32
      %dma_wait3A_76 = arith.constant 0 : i32
      %dma_wait3A_77 = arith.constant 0 : i32
      %dma_wait3A_78 = tpu.memref_slice %arg6[%dma_wait3A_75, %dma_wait3A_76, %dma_wait3A_77] : memref<2x4x6144xf32, #tpu.memory_space<vmem>> -> memref<1x4x6144xf32, #tpu.memory_space<vmem>>
      %dma_wait3A_79 = tpu.memref_squeeze %dma_wait3A_78 : memref<1x4x6144xf32, #tpu.memory_space<vmem>> -> memref<4x6144xf32, #tpu.memory_space<vmem>>
      %dma_wait3A_80 = arith.constant 0 : i32
      %dma_wait3A_81 = tpu.memref_slice %arg2[%add3A_74, %dma_wait3A_80] : memref<4096x6144xf32, #tpu.memory_space<hbm>> -> memref<4x6144xf32, #tpu.memory_space<hbm>>
      %dma_wait3A_82 = arith.constant 0 : i32
      %dma_wait3A_83 = arith.constant 0 : i32
      %dma_wait3A_84 = tpu.memref_slice %arg6[%dma_wait3A_75, %dma_wait3A_82, %dma_wait3A_83] : memref<2x4x6144xf32, #tpu.memory_space<vmem>> -> memref<1x4x6144xf32, #tpu.memory_space<vmem>>
      %dma_wait3A_85 = tpu.memref_squeeze %dma_wait3A_84 : memref<1x4x6144xf32, #tpu.memory_space<vmem>> -> memref<4x6144xf32, #tpu.memory_space<vmem>>
      %dma_wait3A_86 = arith.constant 0 : i32
      %dma_wait3A_87 = tpu.memref_slice %arg2[%add3A_74, %dma_wait3A_86] : memref<4096x6144xf32, #tpu.memory_space<hbm>> -> memref<4x6144xf32, #tpu.memory_space<hbm>>
      tpu.wait_dma2 semaphore(%arg8 : memref<!tpu.dma_semaphore, #tpu.memory_space<semaphore_mem>>) src(%dma_wait3A_87 : memref<4x6144xf32, #tpu.memory_space<hbm>>) dst(%dma_wait3A_85 : memref<4x6144xf32, #tpu.memory_space<vmem>>)
      %ge3A = arith.constant 2 : i32
      %ge3A_88 = arith.cmpi sge, %add3A_71, %ge3A : i32
      %convert_element_type3A = arith.extui %ge3A_88 : i1 to i32
      %cond3A = arith.constant 0 : i32
      %cond3A_89 = arith.cmpi ne, %convert_element_type3A, %cond3A : i32
      scf.if %cond3A_89 {
        %sub3A = arith.constant 2 : i32
        %sub3A_163 = arith.subi %add3A_71, %sub3A : i32
        %mul3A_164 = arith.constant 4 : i32
        %mul3A_165 = arith.muli %sub3A_163, %mul3A_164 : i32
        %add3A_166 = arith.addi %mul3A_2, %mul3A_165 : i32
        %dma_wait3A_167 = arith.constant 0 : i32
        %dma_wait3A_168 = arith.constant 0 : i32
        %dma_wait3A_169 = arith.constant 0 : i32
        %dma_wait3A_170 = tpu.memref_slice %arg7[%dma_wait3A_167, %dma_wait3A_168, %dma_wait3A_169] : memref<2x4x6144xf32, #tpu.memory_space<vmem>> -> memref<1x4x6144xf32, #tpu.memory_space<vmem>>
        %dma_wait3A_171 = tpu.memref_squeeze %dma_wait3A_170 : memref<1x4x6144xf32, #tpu.memory_space<vmem>> -> memref<4x6144xf32, #tpu.memory_space<vmem>>
        %dma_wait3A_172 = arith.constant 0 : i32
        %dma_wait3A_173 = tpu.memref_slice %arg4[%add3A_166, %dma_wait3A_172] : memref<4096x6144xf32, #tpu.memory_space<hbm>> -> memref<4x6144xf32, #tpu.memory_space<hbm>>
        %dma_wait3A_174 = arith.constant 0 : i32
        %dma_wait3A_175 = tpu.memref_slice %arg4[%add3A_166, %dma_wait3A_174] : memref<4096x6144xf32, #tpu.memory_space<hbm>> -> memref<4x6144xf32, #tpu.memory_space<hbm>>
        %dma_wait3A_176 = arith.constant 0 : i32
        %dma_wait3A_177 = arith.constant 0 : i32
        %dma_wait3A_178 = tpu.memref_slice %arg7[%dma_wait3A_167, %dma_wait3A_176, %dma_wait3A_177] : memref<2x4x6144xf32, #tpu.memory_space<vmem>> -> memref<1x4x6144xf32, #tpu.memory_space<vmem>>
        %dma_wait3A_179 = tpu.memref_squeeze %dma_wait3A_178 : memref<1x4x6144xf32, #tpu.memory_space<vmem>> -> memref<4x6144xf32, #tpu.memory_space<vmem>>
        tpu.wait_dma2 semaphore(%arg10 : memref<!tpu.dma_semaphore, #tpu.memory_space<semaphore_mem>>) src(%dma_wait3A_179 : memref<4x6144xf32, #tpu.memory_space<vmem>>) dst(%dma_wait3A_175 : memref<4x6144xf32, #tpu.memory_space<hbm>>)
      } else {
      }
      %parallel_loop3A = arith.constant 0 : i32
      %parallel_loop3A_90 = arith.constant 384 : i32
      %parallel_loop3A_91 = arith.constant 1 : i32
      scf.for %parallel_loop3A_163 = %parallel_loop3A to %parallel_loop3A_90 step %parallel_loop3A_91  : i32 {
        %parallel_loop3A_164 = arith.constant 16 : i32
        %parallel_loop3A_165 = arith.muli %parallel_loop3A_163, %parallel_loop3A_164 : i32
        %parallel_loop3A_166 = arith.index_cast %parallel_loop3A_165 : i32 to index
        %parallel_loop3A_167 = tpu.vector_load %arg5[%parallel_loop3A_166] {strides = array<i32>} : memref<6144xi32, #tpu.memory_space<vmem>>, vector<16xi32>,
        %parallel_loop3A_168 = arith.constant 0 : i32
        %parallel_loop3A_169 = vector.broadcast %parallel_loop3A_168 : i32 to vector<16xi32>
        %parallel_loop3A_170 = arith.constant 0 : i32
        %parallel_loop3A_171 = vector.broadcast %parallel_loop3A_170 : i32 to vector<16xi32>
        %parallel_loop3A_172 = tpu.vector_load_idx %arg6[%parallel_loop3A_169, %parallel_loop3A_171, %parallel_loop3A_167] : memref<2x4x6144xf32, #tpu.memory_space<vmem>>[vector<16xi32>, vector<16xi32>, vector<16xi32>], vector<16xf32>,
        %parallel_loop3A_173 = arith.constant 0 : i32
        %parallel_loop3A_174 = arith.constant 0 : i32
        %parallel_loop3A_175 = arith.index_cast %parallel_loop3A_173 : i32 to index
        %parallel_loop3A_176 = arith.index_cast %parallel_loop3A_174 : i32 to index
        %parallel_loop3A_177 = arith.index_cast %parallel_loop3A_165 : i32 to index
        %parallel_loop3A_178 = tpu.vector_load %arg7[%parallel_loop3A_175, %parallel_loop3A_176, %parallel_loop3A_177] {strides = array<i32>} : memref<2x4x6144xf32, #tpu.memory_space<vmem>>, vector<16xf32>,
        tpu.vector_store %arg7[%parallel_loop3A_175, %parallel_loop3A_176, %parallel_loop3A_177], %parallel_loop3A_172 {strides = array<i32>} : memref<2x4x6144xf32, #tpu.memory_space<vmem>>, vector<16xf32>,
        %parallel_loop3A_179 = arith.constant 1 : i32
        %parallel_loop3A_180 = vector.broadcast %parallel_loop3A_179 : i32 to vector<16xi32>
        %parallel_loop3A_181 = tpu.vector_load_idx %arg6[%parallel_loop3A_169, %parallel_loop3A_180, %parallel_loop3A_167] : memref<2x4x6144xf32, #tpu.memory_space<vmem>>[vector<16xi32>, vector<16xi32>, vector<16xi32>], vector<16xf32>,
        %parallel_loop3A_182 = arith.constant 0 : i32
        %parallel_loop3A_183 = arith.constant 1 : i32
        %parallel_loop3A_184 = arith.index_cast %parallel_loop3A_182 : i32 to index
        %parallel_loop3A_185 = arith.index_cast %parallel_loop3A_183 : i32 to index
        %parallel_loop3A_186 = arith.index_cast %parallel_loop3A_165 : i32 to index
        %parallel_loop3A_187 = tpu.vector_load %arg7[%parallel_loop3A_184, %parallel_loop3A_185, %parallel_loop3A_186] {strides = array<i32>} : memref<2x4x6144xf32, #tpu.memory_space<vmem>>, vector<16xf32>,
        tpu.vector_store %arg7[%parallel_loop3A_184, %parallel_loop3A_185, %parallel_loop3A_186], %parallel_loop3A_181 {strides = array<i32>} : memref<2x4x6144xf32, #tpu.memory_space<vmem>>, vector<16xf32>,
        %parallel_loop3A_188 = arith.constant 2 : i32
        %parallel_loop3A_189 = vector.broadcast %parallel_loop3A_188 : i32 to vector<16xi32>
        %parallel_loop3A_190 = tpu.vector_load_idx %arg6[%parallel_loop3A_169, %parallel_loop3A_189, %parallel_loop3A_167] : memref<2x4x6144xf32, #tpu.memory_space<vmem>>[vector<16xi32>, vector<16xi32>, vector<16xi32>], vector<16xf32>,
        %parallel_loop3A_191 = arith.constant 0 : i32
        %parallel_loop3A_192 = arith.constant 2 : i32
        %parallel_loop3A_193 = arith.index_cast %parallel_loop3A_191 : i32 to index
        %parallel_loop3A_194 = arith.index_cast %parallel_loop3A_192 : i32 to index
        %parallel_loop3A_195 = arith.index_cast %parallel_loop3A_165 : i32 to index
        %parallel_loop3A_196 = tpu.vector_load %arg7[%parallel_loop3A_193, %parallel_loop3A_194, %parallel_loop3A_195] {strides = array<i32>} : memref<2x4x6144xf32, #tpu.memory_space<vmem>>, vector<16xf32>,
        tpu.vector_store %arg7[%parallel_loop3A_193, %parallel_loop3A_194, %parallel_loop3A_195], %parallel_loop3A_190 {strides = array<i32>} : memref<2x4x6144xf32, #tpu.memory_space<vmem>>, vector<16xf32>,
        %parallel_loop3A_197 = arith.constant 3 : i32
        %parallel_loop3A_198 = vector.broadcast %parallel_loop3A_197 : i32 to vector<16xi32>
        %parallel_loop3A_199 = tpu.vector_load_idx %arg6[%parallel_loop3A_169, %parallel_loop3A_198, %parallel_loop3A_167] : memref<2x4x6144xf32, #tpu.memory_space<vmem>>[vector<16xi32>, vector<16xi32>, vector<16xi32>], vector<16xf32>,
        %parallel_loop3A_200 = arith.constant 0 : i32
        %parallel_loop3A_201 = arith.constant 3 : i32
        %parallel_loop3A_202 = arith.index_cast %parallel_loop3A_200 : i32 to index
        %parallel_loop3A_203 = arith.index_cast %parallel_loop3A_201 : i32 to index
        %parallel_loop3A_204 = arith.index_cast %parallel_loop3A_165 : i32 to index
        %parallel_loop3A_205 = tpu.vector_load %arg7[%parallel_loop3A_202, %parallel_loop3A_203, %parallel_loop3A_204] {strides = array<i32>} : memref<2x4x6144xf32, #tpu.memory_space<vmem>>, vector<16xf32>,
        tpu.vector_store %arg7[%parallel_loop3A_202, %parallel_loop3A_203, %parallel_loop3A_204], %parallel_loop3A_199 {strides = array<i32>} : memref<2x4x6144xf32, #tpu.memory_space<vmem>>, vector<16xf32>,
      } {sc.loop_unroll_factor = 8 : i64, sc.parallel_access}
      %mul3A_92 = arith.constant 4 : i32
      %mul3A_93 = arith.muli %add3A_71, %mul3A_92 : i32
      %add3A_94 = arith.addi %mul3A_2, %mul3A_93 : i32
      %dma_start3A_95 = arith.constant 0 : i32
      %dma_start3A_96 = arith.constant 0 : i32
      %dma_start3A_97 = arith.constant 0 : i32
      %dma_start3A_98 = tpu.memref_slice %arg7[%dma_start3A_95, %dma_start3A_96, %dma_start3A_97] : memref<2x4x6144xf32, #tpu.memory_space<vmem>> -> memref<1x4x6144xf32, #tpu.memory_space<vmem>>
      %dma_start3A_99 = tpu.memref_squeeze %dma_start3A_98 : memref<1x4x6144xf32, #tpu.memory_space<vmem>> -> memref<4x6144xf32, #tpu.memory_space<vmem>>
      %dma_start3A_100 = arith.constant 0 : i32
      %dma_start3A_101 = tpu.memref_slice %arg4[%add3A_94, %dma_start3A_100] : memref<4096x6144xf32, #tpu.memory_space<hbm>> -> memref<4x6144xf32, #tpu.memory_space<hbm>>
      %dma_start3A_102 = arith.constant 0 : i32
      %dma_start3A_103 = tpu.memref_slice %arg4[%add3A_94, %dma_start3A_102] : memref<4096x6144xf32, #tpu.memory_space<hbm>> -> memref<4x6144xf32, #tpu.memory_space<hbm>>
      %dma_start3A_104 = arith.constant 0 : i32
      %dma_start3A_105 = arith.constant 0 : i32
      %dma_start3A_106 = tpu.memref_slice %arg7[%dma_start3A_95, %dma_start3A_104, %dma_start3A_105] : memref<2x4x6144xf32, #tpu.memory_space<vmem>> -> memref<1x4x6144xf32, #tpu.memory_space<vmem>>
      %dma_start3A_107 = tpu.memref_squeeze %dma_start3A_106 : memref<1x4x6144xf32, #tpu.memory_space<vmem>> -> memref<4x6144xf32, #tpu.memory_space<vmem>>
      tpu.enqueue_dma source(%dma_start3A_107 : memref<4x6144xf32, #tpu.memory_space<vmem>>) target(%dma_start3A_103 : memref<4x6144xf32, #tpu.memory_space<hbm>>) target_semaphore(%arg10 : memref<!tpu.dma_semaphore, #tpu.memory_space<semaphore_mem>>)
      %add3A_108 = arith.constant 2 : i32
      %add3A_109 = arith.addi %add3A_71, %add3A_108 : i32
      %lt3A = arith.constant 32 : i32
      %lt3A_110 = arith.cmpi slt, %add3A_109, %lt3A : i32
      %convert_element_type3A_111 = arith.extui %lt3A_110 : i1 to i32
      %cond3A_112 = arith.constant 0 : i32
      %cond3A_113 = arith.cmpi ne, %convert_element_type3A_111, %cond3A_112 : i32
      scf.if %cond3A_113 {
        %add3A_163 = arith.constant 2 : i32
        %add3A_164 = arith.addi %add3A_71, %add3A_163 : i32
        %mul3A_165 = arith.constant 4 : i32
        %mul3A_166 = arith.muli %add3A_164, %mul3A_165 : i32
        %add3A_167 = arith.addi %mul3A_2, %mul3A_166 : i32
        %dma_start3A_168 = arith.constant 0 : i32
        %dma_start3A_169 = arith.constant 0 : i32
        %dma_start3A_170 = arith.constant 0 : i32
        %dma_start3A_171 = tpu.memref_slice %arg6[%dma_start3A_168, %dma_start3A_169, %dma_start3A_170] : memref<2x4x6144xf32, #tpu.memory_space<vmem>> -> memref<1x4x6144xf32, #tpu.memory_space<vmem>>
        %dma_start3A_172 = tpu.memref_squeeze %dma_start3A_171 : memref<1x4x6144xf32, #tpu.memory_space<vmem>> -> memref<4x6144xf32, #tpu.memory_space<vmem>>
        %dma_start3A_173 = arith.constant 0 : i32
        %dma_start3A_174 = tpu.memref_slice %arg2[%add3A_167, %dma_start3A_173] : memref<4096x6144xf32, #tpu.memory_space<hbm>> -> memref<4x6144xf32, #tpu.memory_space<hbm>>
        %dma_start3A_175 = arith.constant 0 : i32
        %dma_start3A_176 = arith.constant 0 : i32
        %dma_start3A_177 = tpu.memref_slice %arg6[%dma_start3A_168, %dma_start3A_175, %dma_start3A_176] : memref<2x4x6144xf32, #tpu.memory_space<vmem>> -> memref<1x4x6144xf32, #tpu.memory_space<vmem>>
        %dma_start3A_178 = tpu.memref_squeeze %dma_start3A_177 : memref<1x4x6144xf32, #tpu.memory_space<vmem>> -> memref<4x6144xf32, #tpu.memory_space<vmem>>
        %dma_start3A_179 = arith.constant 0 : i32
        %dma_start3A_180 = tpu.memref_slice %arg2[%add3A_167, %dma_start3A_179] : memref<4096x6144xf32, #tpu.memory_space<hbm>> -> memref<4x6144xf32, #tpu.memory_space<hbm>>
        tpu.enqueue_dma source(%dma_start3A_180 : memref<4x6144xf32, #tpu.memory_space<hbm>>) target(%dma_start3A_178 : memref<4x6144xf32, #tpu.memory_space<vmem>>) target_semaphore(%arg8 : memref<!tpu.dma_semaphore, #tpu.memory_space<semaphore_mem>>)
      } else {
      }
      %add3A_114 = arith.constant 1 : i32
      %add3A_115 = arith.addi %add3A_69, %add3A_114 : i32
      %mul3A_116 = arith.constant 4 : i32
      %mul3A_117 = arith.muli %add3A_115, %mul3A_116 : i32
      %add3A_118 = arith.addi %mul3A_2, %mul3A_117 : i32
      %dma_wait3A_119 = arith.constant 1 : i32
      %dma_wait3A_120 = arith.constant 0 : i32
      %dma_wait3A_121 = arith.constant 0 : i32
      %dma_wait3A_122 = tpu.memref_slice %arg6[%dma_wait3A_119, %dma_wait3A_120, %dma_wait3A_121] : memref<2x4x6144xf32, #tpu.memory_space<vmem>> -> memref<1x4x6144xf32, #tpu.memory_space<vmem>>
      %dma_wait3A_123 = tpu.memref_squeeze %dma_wait3A_122 : memref<1x4x6144xf32, #tpu.memory_space<vmem>> -> memref<4x6144xf32, #tpu.memory_space<vmem>>
      %dma_wait3A_124 = arith.constant 0 : i32
      %dma_wait3A_125 = tpu.memref_slice %arg2[%add3A_118, %dma_wait3A_124] : memref<4096x6144xf32, #tpu.memory_space<hbm>> -> memref<4x6144xf32, #tpu.memory_space<hbm>>
      %dma_wait3A_126 = arith.constant 0 : i32
      %dma_wait3A_127 = arith.constant 0 : i32
      %dma_wait3A_128 = tpu.memref_slice %arg6[%dma_wait3A_119, %dma_wait3A_126, %dma_wait3A_127] : memref<2x4x6144xf32, #tpu.memory_space<vmem>> -> memref<1x4x6144xf32, #tpu.memory_space<vmem>>
      %dma_wait3A_129 = tpu.memref_squeeze %dma_wait3A_128 : memref<1x4x6144xf32, #tpu.memory_space<vmem>> -> memref<4x6144xf32, #tpu.memory_space<vmem>>
      %dma_wait3A_130 = arith.constant 0 : i32
      %dma_wait3A_131 = tpu.memref_slice %arg2[%add3A_118, %dma_wait3A_130] : memref<4096x6144xf32, #tpu.memory_space<hbm>> -> memref<4x6144xf32, #tpu.memory_space<hbm>>
      tpu.wait_dma2 semaphore(%arg9 : memref<!tpu.dma_semaphore, #tpu.memory_space<semaphore_mem>>) src(%dma_wait3A_131 : memref<4x6144xf32, #tpu.memory_space<hbm>>) dst(%dma_wait3A_129 : memref<4x6144xf32, #tpu.memory_space<vmem>>)
      %ge3A_132 = arith.constant 2 : i32
      %ge3A_133 = arith.cmpi sge, %add3A_115, %ge3A_132 : i32
      %convert_element_type3A_134 = arith.extui %ge3A_133 : i1 to i32
      %cond3A_135 = arith.constant 0 : i32
      %cond3A_136 = arith.cmpi ne, %convert_element_type3A_134, %cond3A_135 : i32
      scf.if %cond3A_136 {
        %sub3A = arith.constant 2 : i32
        %sub3A_163 = arith.subi %add3A_115, %sub3A : i32
        %mul3A_164 = arith.constant 4 : i32
        %mul3A_165 = arith.muli %sub3A_163, %mul3A_164 : i32
        %add3A_166 = arith.addi %mul3A_2, %mul3A_165 : i32
        %dma_wait3A_167 = arith.constant 1 : i32
        %dma_wait3A_168 = arith.constant 0 : i32
        %dma_wait3A_169 = arith.constant 0 : i32
        %dma_wait3A_170 = tpu.memref_slice %arg7[%dma_wait3A_167, %dma_wait3A_168, %dma_wait3A_169] : memref<2x4x6144xf32, #tpu.memory_space<vmem>> -> memref<1x4x6144xf32, #tpu.memory_space<vmem>>
        %dma_wait3A_171 = tpu.memref_squeeze %dma_wait3A_170 : memref<1x4x6144xf32, #tpu.memory_space<vmem>> -> memref<4x6144xf32, #tpu.memory_space<vmem>>
        %dma_wait3A_172 = arith.constant 0 : i32
        %dma_wait3A_173 = tpu.memref_slice %arg4[%add3A_166, %dma_wait3A_172] : memref<4096x6144xf32, #tpu.memory_space<hbm>> -> memref<4x6144xf32, #tpu.memory_space<hbm>>
        %dma_wait3A_174 = arith.constant 0 : i32
        %dma_wait3A_175 = tpu.memref_slice %arg4[%add3A_166, %dma_wait3A_174] : memref<4096x6144xf32, #tpu.memory_space<hbm>> -> memref<4x6144xf32, #tpu.memory_space<hbm>>
        %dma_wait3A_176 = arith.constant 0 : i32
        %dma_wait3A_177 = arith.constant 0 : i32
        %dma_wait3A_178 = tpu.memref_slice %arg7[%dma_wait3A_167, %dma_wait3A_176, %dma_wait3A_177] : memref<2x4x6144xf32, #tpu.memory_space<vmem>> -> memref<1x4x6144xf32, #tpu.memory_space<vmem>>
        %dma_wait3A_179 = tpu.memref_squeeze %dma_wait3A_178 : memref<1x4x6144xf32, #tpu.memory_space<vmem>> -> memref<4x6144xf32, #tpu.memory_space<vmem>>
        tpu.wait_dma2 semaphore(%arg11 : memref<!tpu.dma_semaphore, #tpu.memory_space<semaphore_mem>>) src(%dma_wait3A_179 : memref<4x6144xf32, #tpu.memory_space<vmem>>) dst(%dma_wait3A_175 : memref<4x6144xf32, #tpu.memory_space<hbm>>)
      } else {
      }
      %parallel_loop3A_137 = arith.constant 0 : i32
      %parallel_loop3A_138 = arith.constant 384 : i32
      %parallel_loop3A_139 = arith.constant 1 : i32
      scf.for %parallel_loop3A_163 = %parallel_loop3A_137 to %parallel_loop3A_138 step %parallel_loop3A_139  : i32 {
        %parallel_loop3A_164 = arith.constant 16 : i32
        %parallel_loop3A_165 = arith.muli %parallel_loop3A_163, %parallel_loop3A_164 : i32
        %parallel_loop3A_166 = arith.index_cast %parallel_loop3A_165 : i32 to index
        %parallel_loop3A_167 = tpu.vector_load %arg5[%parallel_loop3A_166] {strides = array<i32>} : memref<6144xi32, #tpu.memory_space<vmem>>, vector<16xi32>,
        %parallel_loop3A_168 = arith.constant 1 : i32
        %parallel_loop3A_169 = vector.broadcast %parallel_loop3A_168 : i32 to vector<16xi32>
        %parallel_loop3A_170 = arith.constant 0 : i32
        %parallel_loop3A_171 = vector.broadcast %parallel_loop3A_170 : i32 to vector<16xi32>
        %parallel_loop3A_172 = tpu.vector_load_idx %arg6[%parallel_loop3A_169, %parallel_loop3A_171, %parallel_loop3A_167] : memref<2x4x6144xf32, #tpu.memory_space<vmem>>[vector<16xi32>, vector<16xi32>, vector<16xi32>], vector<16xf32>,
        %parallel_loop3A_173 = arith.constant 1 : i32
        %parallel_loop3A_174 = arith.constant 0 : i32
        %parallel_loop3A_175 = arith.index_cast %parallel_loop3A_173 : i32 to index
        %parallel_loop3A_176 = arith.index_cast %parallel_loop3A_174 : i32 to index
        %parallel_loop3A_177 = arith.index_cast %parallel_loop3A_165 : i32 to index
        %parallel_loop3A_178 = tpu.vector_load %arg7[%parallel_loop3A_175, %parallel_loop3A_176, %parallel_loop3A_177] {strides = array<i32>} : memref<2x4x6144xf32, #tpu.memory_space<vmem>>, vector<16xf32>,
        tpu.vector_store %arg7[%parallel_loop3A_175, %parallel_loop3A_176, %parallel_loop3A_177], %parallel_loop3A_172 {strides = array<i32>} : memref<2x4x6144xf32, #tpu.memory_space<vmem>>, vector<16xf32>,
        %parallel_loop3A_179 = arith.constant 1 : i32
        %parallel_loop3A_180 = vector.broadcast %parallel_loop3A_179 : i32 to vector<16xi32>
        %parallel_loop3A_181 = tpu.vector_load_idx %arg6[%parallel_loop3A_169, %parallel_loop3A_180, %parallel_loop3A_167] : memref<2x4x6144xf32, #tpu.memory_space<vmem>>[vector<16xi32>, vector<16xi32>, vector<16xi32>], vector<16xf32>,
        %parallel_loop3A_182 = arith.constant 1 : i32
        %parallel_loop3A_183 = arith.constant 1 : i32
        %parallel_loop3A_184 = arith.index_cast %parallel_loop3A_182 : i32 to index
        %parallel_loop3A_185 = arith.index_cast %parallel_loop3A_183 : i32 to index
        %parallel_loop3A_186 = arith.index_cast %parallel_loop3A_165 : i32 to index
        %parallel_loop3A_187 = tpu.vector_load %arg7[%parallel_loop3A_184, %parallel_loop3A_185, %parallel_loop3A_186] {strides = array<i32>} : memref<2x4x6144xf32, #tpu.memory_space<vmem>>, vector<16xf32>,
        tpu.vector_store %arg7[%parallel_loop3A_184, %parallel_loop3A_185, %parallel_loop3A_186], %parallel_loop3A_181 {strides = array<i32>} : memref<2x4x6144xf32, #tpu.memory_space<vmem>>, vector<16xf32>,
        %parallel_loop3A_188 = arith.constant 2 : i32
        %parallel_loop3A_189 = vector.broadcast %parallel_loop3A_188 : i32 to vector<16xi32>
        %parallel_loop3A_190 = tpu.vector_load_idx %arg6[%parallel_loop3A_169, %parallel_loop3A_189, %parallel_loop3A_167] : memref<2x4x6144xf32, #tpu.memory_space<vmem>>[vector<16xi32>, vector<16xi32>, vector<16xi32>], vector<16xf32>,
        %parallel_loop3A_191 = arith.constant 1 : i32
        %parallel_loop3A_192 = arith.constant 2 : i32
        %parallel_loop3A_193 = arith.index_cast %parallel_loop3A_191 : i32 to index
        %parallel_loop3A_194 = arith.index_cast %parallel_loop3A_192 : i32 to index
        %parallel_loop3A_195 = arith.index_cast %parallel_loop3A_165 : i32 to index
        %parallel_loop3A_196 = tpu.vector_load %arg7[%parallel_loop3A_193, %parallel_loop3A_194, %parallel_loop3A_195] {strides = array<i32>} : memref<2x4x6144xf32, #tpu.memory_space<vmem>>, vector<16xf32>,
        tpu.vector_store %arg7[%parallel_loop3A_193, %parallel_loop3A_194, %parallel_loop3A_195], %parallel_loop3A_190 {strides = array<i32>} : memref<2x4x6144xf32, #tpu.memory_space<vmem>>, vector<16xf32>,
        %parallel_loop3A_197 = arith.constant 3 : i32
        %parallel_loop3A_198 = vector.broadcast %parallel_loop3A_197 : i32 to vector<16xi32>
        %parallel_loop3A_199 = tpu.vector_load_idx %arg6[%parallel_loop3A_169, %parallel_loop3A_198, %parallel_loop3A_167] : memref<2x4x6144xf32, #tpu.memory_space<vmem>>[vector<16xi32>, vector<16xi32>, vector<16xi32>], vector<16xf32>,
        %parallel_loop3A_200 = arith.constant 1 : i32
        %parallel_loop3A_201 = arith.constant 3 : i32
        %parallel_loop3A_202 = arith.index_cast %parallel_loop3A_200 : i32 to index
        %parallel_loop3A_203 = arith.index_cast %parallel_loop3A_201 : i32 to index
        %parallel_loop3A_204 = arith.index_cast %parallel_loop3A_165 : i32 to index
        %parallel_loop3A_205 = tpu.vector_load %arg7[%parallel_loop3A_202, %parallel_loop3A_203, %parallel_loop3A_204] {strides = array<i32>} : memref<2x4x6144xf32, #tpu.memory_space<vmem>>, vector<16xf32>,
        tpu.vector_store %arg7[%parallel_loop3A_202, %parallel_loop3A_203, %parallel_loop3A_204], %parallel_loop3A_199 {strides = array<i32>} : memref<2x4x6144xf32, #tpu.memory_space<vmem>>, vector<16xf32>,
      } {sc.loop_unroll_factor = 8 : i64, sc.parallel_access}
      %mul3A_140 = arith.constant 4 : i32
      %mul3A_141 = arith.muli %add3A_115, %mul3A_140 : i32
      %add3A_142 = arith.addi %mul3A_2, %mul3A_141 : i32
      %dma_start3A_143 = arith.constant 1 : i32
      %dma_start3A_144 = arith.constant 0 : i32
      %dma_start3A_145 = arith.constant 0 : i32
      %dma_start3A_146 = tpu.memref_slice %arg7[%dma_start3A_143, %dma_start3A_144, %dma_start3A_145] : memref<2x4x6144xf32, #tpu.memory_space<vmem>> -> memref<1x4x6144xf32, #tpu.memory_space<vmem>>
      %dma_start3A_147 = tpu.memref_squeeze %dma_start3A_146 : memref<1x4x6144xf32, #tpu.memory_space<vmem>> -> memref<4x6144xf32, #tpu.memory_space<vmem>>
      %dma_start3A_148 = arith.constant 0 : i32
      %dma_start3A_149 = tpu.memref_slice %arg4[%add3A_142, %dma_start3A_148] : memref<4096x6144xf32, #tpu.memory_space<hbm>> -> memref<4x6144xf32, #tpu.memory_space<hbm>>
      %dma_start3A_150 = arith.constant 0 : i32
      %dma_start3A_151 = tpu.memref_slice %arg4[%add3A_142, %dma_start3A_150] : memref<4096x6144xf32, #tpu.memory_space<hbm>> -> memref<4x6144xf32, #tpu.memory_space<hbm>>
      %dma_start3A_152 = arith.constant 0 : i32
      %dma_start3A_153 = arith.constant 0 : i32
      %dma_start3A_154 = tpu.memref_slice %arg7[%dma_start3A_143, %dma_start3A_152, %dma_start3A_153] : memref<2x4x6144xf32, #tpu.memory_space<vmem>> -> memref<1x4x6144xf32, #tpu.memory_space<vmem>>
      %dma_start3A_155 = tpu.memref_squeeze %dma_start3A_154 : memref<1x4x6144xf32, #tpu.memory_space<vmem>> -> memref<4x6144xf32, #tpu.memory_space<vmem>>
      tpu.enqueue_dma source(%dma_start3A_155 : memref<4x6144xf32, #tpu.memory_space<vmem>>) target(%dma_start3A_151 : memref<4x6144xf32, #tpu.memory_space<hbm>>) target_semaphore(%arg11 : memref<!tpu.dma_semaphore, #tpu.memory_space<semaphore_mem>>)
      %add3A_156 = arith.constant 2 : i32
      %add3A_157 = arith.addi %add3A_115, %add3A_156 : i32
      %lt3A_158 = arith.constant 32 : i32
      %lt3A_159 = arith.cmpi slt, %add3A_157, %lt3A_158 : i32
      %convert_element_type3A_160 = arith.extui %lt3A_159 : i1 to i32
      %cond3A_161 = arith.constant 0 : i32
      %cond3A_162 = arith.cmpi ne, %convert_element_type3A_160, %cond3A_161 : i32
      scf.if %cond3A_162 {
        %add3A_163 = arith.constant 2 : i32
        %add3A_164 = arith.addi %add3A_115, %add3A_163 : i32
        %mul3A_165 = arith.constant 4 : i32
        %mul3A_166 = arith.muli %add3A_164, %mul3A_165 : i32
        %add3A_167 = arith.addi %mul3A_2, %mul3A_166 : i32
        %dma_start3A_168 = arith.constant 1 : i32
        %dma_start3A_169 = arith.constant 0 : i32
        %dma_start3A_170 = arith.constant 0 : i32
        %dma_start3A_171 = tpu.memref_slice %arg6[%dma_start3A_168, %dma_start3A_169, %dma_start3A_170] : memref<2x4x6144xf32, #tpu.memory_space<vmem>> -> memref<1x4x6144xf32, #tpu.memory_space<vmem>>
        %dma_start3A_172 = tpu.memref_squeeze %dma_start3A_171 : memref<1x4x6144xf32, #tpu.memory_space<vmem>> -> memref<4x6144xf32, #tpu.memory_space<vmem>>
        %dma_start3A_173 = arith.constant 0 : i32
        %dma_start3A_174 = tpu.memref_slice %arg2[%add3A_167, %dma_start3A_173] : memref<4096x6144xf32, #tpu.memory_space<hbm>> -> memref<4x6144xf32, #tpu.memory_space<hbm>>
        %dma_start3A_175 = arith.constant 0 : i32
        %dma_start3A_176 = arith.constant 0 : i32
        %dma_start3A_177 = tpu.memref_slice %arg6[%dma_start3A_168, %dma_start3A_175, %dma_start3A_176] : memref<2x4x6144xf32, #tpu.memory_space<vmem>> -> memref<1x4x6144xf32, #tpu.memory_space<vmem>>
        %dma_start3A_178 = tpu.memref_squeeze %dma_start3A_177 : memref<1x4x6144xf32, #tpu.memory_space<vmem>> -> memref<4x6144xf32, #tpu.memory_space<vmem>>
        %dma_start3A_179 = arith.constant 0 : i32
        %dma_start3A_180 = tpu.memref_slice %arg2[%add3A_167, %dma_start3A_179] : memref<4096x6144xf32, #tpu.memory_space<hbm>> -> memref<4x6144xf32, #tpu.memory_space<hbm>>
        tpu.enqueue_dma source(%dma_start3A_180 : memref<4x6144xf32, #tpu.memory_space<hbm>>) target(%dma_start3A_178 : memref<4x6144xf32, #tpu.memory_space<vmem>>) target_semaphore(%arg9 : memref<!tpu.dma_semaphore, #tpu.memory_space<semaphore_mem>>)
      } else {
      }
    }
    %scan3A_35 = arith.constant 16 : i32
    %add3A_36 = arith.constant 120 : i32
    %add3A_37 = arith.addi %mul3A_2, %add3A_36 : i32
    %dma_wait3A = arith.constant 0 : i32
    %dma_wait3A_38 = arith.constant 0 : i32
    %dma_wait3A_39 = arith.constant 0 : i32
    %dma_wait3A_40 = tpu.memref_slice %arg7[%dma_wait3A, %dma_wait3A_38, %dma_wait3A_39] : memref<2x4x6144xf32, #tpu.memory_space<vmem>> -> memref<1x4x6144xf32, #tpu.memory_space<vmem>>
    %dma_wait3A_41 = tpu.memref_squeeze %dma_wait3A_40 : memref<1x4x6144xf32, #tpu.memory_space<vmem>> -> memref<4x6144xf32, #tpu.memory_space<vmem>>
    %dma_wait3A_42 = arith.constant 0 : i32
    %dma_wait3A_43 = tpu.memref_slice %arg4[%add3A_37, %dma_wait3A_42] : memref<4096x6144xf32, #tpu.memory_space<hbm>> -> memref<4x6144xf32, #tpu.memory_space<hbm>>
    %dma_wait3A_44 = arith.constant 0 : i32
    %dma_wait3A_45 = tpu.memref_slice %arg4[%add3A_37, %dma_wait3A_44] : memref<4096x6144xf32, #tpu.memory_space<hbm>> -> memref<4x6144xf32, #tpu.memory_space<hbm>>
    %dma_wait3A_46 = arith.constant 0 : i32
    %dma_wait3A_47 = arith.constant 0 : i32
    %dma_wait3A_48 = tpu.memref_slice %arg7[%dma_wait3A, %dma_wait3A_46, %dma_wait3A_47] : memref<2x4x6144xf32, #tpu.memory_space<vmem>> -> memref<1x4x6144xf32, #tpu.memory_space<vmem>>
    %dma_wait3A_49 = tpu.memref_squeeze %dma_wait3A_48 : memref<1x4x6144xf32, #tpu.memory_space<vmem>> -> memref<4x6144xf32, #tpu.memory_space<vmem>>
    tpu.wait_dma2 semaphore(%arg10 : memref<!tpu.dma_semaphore, #tpu.memory_space<semaphore_mem>>) src(%dma_wait3A_49 : memref<4x6144xf32, #tpu.memory_space<vmem>>) dst(%dma_wait3A_45 : memref<4x6144xf32, #tpu.memory_space<hbm>>)
    %add3A_50 = arith.constant 124 : i32
    %add3A_51 = arith.addi %mul3A_2, %add3A_50 : i32
    %dma_wait3A_52 = arith.constant 1 : i32
    %dma_wait3A_53 = arith.constant 0 : i32
    %dma_wait3A_54 = arith.constant 0 : i32
    %dma_wait3A_55 = tpu.memref_slice %arg7[%dma_wait3A_52, %dma_wait3A_53, %dma_wait3A_54] : memref<2x4x6144xf32, #tpu.memory_space<vmem>> -> memref<1x4x6144xf32, #tpu.memory_space<vmem>>
    %dma_wait3A_56 = tpu.memref_squeeze %dma_wait3A_55 : memref<1x4x6144xf32, #tpu.memory_space<vmem>> -> memref<4x6144xf32, #tpu.memory_space<vmem>>
    %dma_wait3A_57 = arith.constant 0 : i32
    %dma_wait3A_58 = tpu.memref_slice %arg4[%add3A_51, %dma_wait3A_57] : memref<4096x6144xf32, #tpu.memory_space<hbm>> -> memref<4x6144xf32, #tpu.memory_space<hbm>>
    %dma_wait3A_59 = arith.constant 0 : i32
    %dma_wait3A_60 = tpu.memref_slice %arg4[%add3A_51, %dma_wait3A_59] : memref<4096x6144xf32, #tpu.memory_space<hbm>> -> memref<4x6144xf32, #tpu.memory_space<hbm>>
    %dma_wait3A_61 = arith.constant 0 : i32
    %dma_wait3A_62 = arith.constant 0 : i32
    %dma_wait3A_63 = tpu.memref_slice %arg7[%dma_wait3A_52, %dma_wait3A_61, %dma_wait3A_62] : memref<2x4x6144xf32, #tpu.memory_space<vmem>> -> memref<1x4x6144xf32, #tpu.memory_space<vmem>>
    %dma_wait3A_64 = tpu.memref_squeeze %dma_wait3A_63 : memref<1x4x6144xf32, #tpu.memory_space<vmem>> -> memref<4x6144xf32, #tpu.memory_space<vmem>>
    tpu.wait_dma2 semaphore(%arg11 : memref<!tpu.dma_semaphore, #tpu.memory_space<semaphore_mem>>) src(%dma_wait3A_64 : memref<4x6144xf32, #tpu.memory_space<vmem>>) dst(%dma_wait3A_60 : memref<4x6144xf32, #tpu.memory_space<hbm>>)
    return
  }
}

</mosaic_0001>

<sc_bundles>
// kernel: _sc_interleave.3.cloned.1.call-start
scs
__scs_entry_jumppad:
0x0: {  	(pc) =	sbr.rel $0x88, $3  }
0x1: {  	(tag) =	ssettag $0x0;
	lr =	simm.s32 $0x1  }
0x2: {  	[smem:$0x3F9F] =	sst lr;
	_ =	strace $0xD0000000  }
0x3: {  	_ = 	snop  }
0x4: {  	_ = 	snop  }
0x5: {  	_ = 	snop  }
0x6: {  	_ = 	snop  }
0x7: {  	_ = 	snop  }
__scs_overlays_trampoline_lowered:
0x8: {  	[smem:$0x3FAE] =	sst s0  }
0x9: {  	[smem:$0x3FAF] =	sst s1  }
0xa: {  	[smem:$0x3FB0] =	sst s2  }
0xb: {  	[smem:$0x3FB1] =	sst s3  }
0xc: {  	[smem:$0x3FB2] =	sst s4  }
0xd: {  	[smem:$0x3FB3] =	sst s5  }
0xe: {  	[smem:$0x3FB4] =	sst s6  }
0xf: {  	[smem:$0x3FB5] =	sst s7  }
0x10: {  	[smem:$0x3FB6] =	sst s8  }
0x11: {  	[smem:$0x3FB7] =	sst s9;
	s0 =	simm.s32 @!p0 $0x0  }
0x12: {  	s1 =	sld [smem:$0x3F9D];
	s0 =	simm.s32 @p0 $0x1  }
0x13: {  	[smem:$0x3FB8] =	sst s0;
	s0 =	simm.s32 @!p1 $0x0  }
0x14: {  	s2 =	sld [smem:$0x3F9C];
	s0 =	simm.s32 @p1 $0x1  }
0x15: {  	[smem:$0x3FB9] =	sst s0;
	s0 =	simm.s32 @!p2 $0x0  }
0x16: {  	s3 =	sld [smem:$0x3FDB];
	s0 =	simm.s32 @p2 $0x1  }
0x17: {  	s4 =	simm.s32 $0x1BF5;
	[smem:$0x3FBB] =	sst s0  }
0x18: {  	s0 =	sld [smem:$0x3F9E];
	_ =	swait.ge [sflag:s4], $0x0  }
0x19: {  	s7 =	sld [smem:$0x3F9F]  }
0x1a: {  	s8 =	sadd.s32 $0xFFFFE003, lr  }
0x1b: {  	s9 =	sadd.s32 $0xFFFFFEF7, lr;
	s5 =	simm.s32 $0xFFFFFFFF;
	p2 =	slt.u32 s8, $0xFFFFF086  }
0x1c: {  	p1 =	slt.u32 s9, $0xF7A;
	s5 =	simm.s32 @!p2 $0x0  }
0x1d: {  	s5 =	simm.s32 @p1 $0x1;
	p0 =	seq.s32 s7, s2  }
0x1e: {  	s7 =	smul.u32 @!p0 $0xF7A, s2;
	p2 =	seq.s32 @!p0 s5, $0x0  }
0x1f: {  	s9 =	smul.u32 $0xF7A, s1;
	s8 =	simm.s32 @!p0 $0x1BF5;
	p2 =	por !p2, p0  }
0x20: {  	[sflag:s8] =	ssyncset.s32 @!p0 $0xFFFFF086;
	s6 =	sadd.s32 @!p0 s3, s7;
	s7 =	simm.s32 @!p0 $0x108  }
0x21: {  	s3 =	sadd.s32 s3, s9;
	s6 =	sadd.s32 @!p0 $0x88, s6;
	s7 =	simm.s32 @p2 $0x1082  }
0x22: {  	[simem:s7], [sflag:s8] =	dma.local @!p0 [hbm:s6], $0xF7A  }
0x23: {  	s9 =	sor.u32 $0xD0000000, s2;
	s6 =	simm.s32 $0x108;
	_ =	swait.ge @!p0 [sflag:s8], $0x0  }
0x24: {  	s3 =	sadd.s32 $0x88, s3;
	s6 =	simm.s32 @!p1 $0x1082;
	[sflag:s4] =	ssyncset.s32 $0xFFFFF086  }
0x25: {  	[simem:s6], [sflag:s4] =	dma.local [hbm:s3], $0xF7A  }
0x26: {  	[smem:$0x3F9F] =	sst s1;
	(tag) =	ssettag s2;
	_ =	strace s9  }
0x27: {  	s1 =	sld [smem:$0x3FAF]  }
0x28: {  	s2 =	sld [smem:$0x3FB0]  }
0x29: {  	s4 =	sld [smem:$0x3FB2]  }
0x2a: {  	p0 =	seq.s32 s5, $0x0;
	s5 =	sld [smem:$0x3FB3]  }
0x2b: {  	s6 =	sld [smem:$0x3FB4]  }
0x2c: {  	s7 =	sld [smem:$0x3FB5]  }
0x2d: {  	s3 =	simm.s32 $0x108;
	s8 =	sld [smem:$0x3FB6]  }
0x2e: {  	s3 =	simm.s32 @!p0 $0x1082;
	s9 =	sld [smem:$0x3FB7]  }
0x2f: {  	lr =	sadd.s32 s0, s3;
	s0 =	sld [smem:$0x3FAE]  }
0x30: {  	s3 =	sld [smem:$0x3FB1]  }
0x31: {  	[smem:$0x3FBA] =	sst s10  }
0x32: {  	s10 =	sld [smem:$0x3FB8];
	_ =	sdelay $0x3  }
0x33: {  	p0 =	seq.s32 s10, $0x1;
	s10 =	sld [smem:$0x3FBA];
	_ =	sdelay $0x3  }
0x34: {  	[smem:$0x3FBA] =	sst s10  }
0x35: {  	s10 =	sld [smem:$0x3FB9];
	_ =	sdelay $0x3  }
0x36: {  	p1 =	seq.s32 s10, $0x1;
	s10 =	sld [smem:$0x3FBA];
	_ =	sdelay $0x3  }
0x37: {  	[smem:$0x3FBA] =	sst s10  }
0x38: {  	s10 =	sld [smem:$0x3FBB]  }
0x39: {  	_ = 	snop;
	(pc) =	sbr.ind lr, $3  }
0x3a: {  	_ = 	snop  }
0x3b: {  	_ = 	snop  }
0x3c: {  	p2 =	seq.s32 s10, $0x1;
	s10 =	sld [smem:$0x3FBA]  }
0x3d: {  	_ =	shalt  }
0x3e: {  	_ =	shalt  }
0x3f: {  	_ =	shalt  }
0x40: {  	_ =	shalt  }
0x41: {  	_ =	shalt  }
0x42: {  	_ =	shalt  }
0x43: {  	_ =	shalt  }
0x44: {  	_ =	shalt  }
0x45: {  	_ =	shalt  }
0x46: {  	_ =	shalt  }
0x47: {  	_ =	shalt  }
0x48: {  	_ =	shalt  }
0x49: {  	_ =	shalt  }
0x4a: {  	_ =	shalt  }
0x4b: {  	_ =	shalt  }
0x4c: {  	_ =	shalt  }
0x4d: {  	_ =	shalt  }
0x4e: {  	_ =	shalt  }
0x4f: {  	_ =	shalt  }
0x50: {  	_ =	shalt  }
0x51: {  	_ =	shalt  }
0x52: {  	_ =	shalt  }
0x53: {  	_ =	shalt  }
0x54: {  	_ =	shalt  }
0x55: {  	_ =	shalt  }
0x56: {  	_ =	shalt  }
0x57: {  	_ =	shalt  }
0x58: {  	_ =	shalt  }
0x59: {  	_ =	shalt  }
0x5a: {  	_ =	shalt  }
0x5b: {  	_ =	shalt  }
0x5c: {  	_ =	shalt  }
0x5d: {  	_ =	shalt  }
0x5e: {  	_ =	shalt  }
0x5f: {  	_ =	shalt  }
0x60: {  	_ =	shalt  }
0x61: {  	_ =	shalt  }
0x62: {  	_ =	shalt  }
0x63: {  	_ =	shalt  }
0x64: {  	_ =	shalt  }
0x65: {  	_ =	shalt  }
0x66: {  	_ =	shalt  }
0x67: {  	_ =	shalt  }
0x68: {  	_ =	shalt  }
0x69: {  	_ =	shalt  }
0x6a: {  	_ =	shalt  }
0x6b: {  	_ =	shalt  }
0x6c: {  	_ =	shalt  }
0x6d: {  	_ =	shalt  }
0x6e: {  	_ =	shalt  }
0x6f: {  	_ =	shalt  }
0x70: {  	_ =	shalt  }
0x71: {  	_ =	shalt  }
0x72: {  	_ =	shalt  }
0x73: {  	_ =	shalt  }
0x74: {  	_ =	shalt  }
0x75: {  	_ =	shalt  }
0x76: {  	_ =	shalt  }
0x77: {  	_ =	shalt  }
0x78: {  	_ =	shalt  }
0x79: {  	_ =	shalt  }
0x7a: {  	_ =	shalt  }
0x7b: {  	_ =	shalt  }
0x7c: {  	_ =	shalt  }
0x7d: {  	_ =	shalt  }
0x7e: {  	_ =	shalt  }
0x7f: {  	_ =	shalt  }
0x80: {  	_ =	shalt  }
0x81: {  	_ =	shalt  }
0x82: {  	_ =	shalt  }
0x83: {  	_ =	shalt  }
0x84: {  	_ =	shalt  }
0x85: {  	_ =	shalt  }
0x86: {  	_ =	shalt  }
0x87: {  	_ =	shalt  }
.Lfunc_end0:
.L_simem_size_0:
called_computation_lowered:
.L_overlay_start_0:
0x88: {  	s2 =	sld [smem:$0x3FD9]  }
0x89: {  	s3 =	sld [smem:$0x3FFE];
	_ =	sdelay $0x1  }
0x8a: {  	s1 =	srdreg.scid  }
0x8b: {  	s0 =	sand.u32 $0x1, s1  }
0x8c: {  	s18 =	sshll.u32 s0, $0xA;
	s2 =	sadd.s32 s3, s2  }
0x8d: {  	s2 =	sadd.s32 s2, s18  }
0x8e: {  	[smem:$0x3FC6] =	sst s2  }
0x8f: {  	_ = 	snop  }
0x90: {  	s2 =	sld [smem:$0x3FC9]  }
0x91: {  	s19 =	sld [smem:$0x3FC8]  }
0x92: {  	s4 =	sld [smem:$0x3FD0];
	(tm) =	ssettm $0x1  }
0x93: {  	s5 =	sld [smem:$0x3FFB];
	_ =	sdelay $0x3  }
0x94: {  	_ =	strace s5  }
0x95: {  	s5 =	sld [smem:$0x3FFC];
	_ =	sdelay $0x3  }
0x96: {  	_ =	strace s5  }
0x97: {  	s5 =	sld [smem:$0x3FFD];
	_ =	sdelay $0x3  }
0x98: {  	_ =	strace s5  }
0x99: {  	_ =	strace $0x8FFFFFFF  }
0x9a: {  	s20 =	sld [smem:$0x3FDB];
	_ =	sdelay $0x1  }
0x9b: {  	s6 =	simm.s32 $_scs_section_size  }
0x9c: {  	s7 =	simm.s32 $_size__tile_overlayer_lowered;
	s8 =	simm.s32 $_tile_overlayer_lowered  }
0x9d: {  	s23 =	simm.s32 $0x1BFF;
	s22 =	sshll.u32 s8, $0x1;
	s5 =	sadd.s32 s6, s20  }
0x9e: {  	s9 =	simm.s32 $0x0;
	s21 =	sshll.u32 s7, $0x1;
	s7 =	sadd.s32 s22, s5  }
0x9f: {  	[timem:s9], [sflag:s23] =	dma.local [hbm:s7], s21  }
0xa0: {  	_ =	swait.ge [sflag:s23], s21  }
0xa1: {  	s6 =	ssub.s32 $0x0, s21;
	[sflag:s23] =	ssyncset.done $0x0  }
0xa2: {  	[sflag:s23] =	ssyncadd.s32 s6;
	_ =	sdelay $0x1  }
0xa3: {  	s24 =	simm.s32 $0x1B8B  }
0xa4: {  	_ =	swait.ge [sflag:s24], $0x1  }
0xa5: {  	[sflag:s24] =	ssyncset.done $0x0  }
0xa6: {  	s25 =	simm.s32 $0x1B8E;
	[sflag:s24] =	ssyncadd.s32 $0xFFFFFFFF  }
0xa7: {  	s26 =	simm.s32 $execute0_lowered;
	[smem:$0x3FD2] =	sst s25  }
0xa8: {  	s6 =	sshll.u32 s26, $0x1;
	_ =	strace $0x80000046;
	[dreg:$0x1] =	wrdreg $0xFFFFFFFF  }
0xa9: {  	s28 =	simm.s32 $_size_execute0_lowered;
	s5 =	sadd.s32 s5, s6;
	[dreg:$0x0] =	wrdreg $0x0  }
0xaa: {  	s6 =	sshll.u32 s28, $0x1;
	[dreg:$0x2] =	wrdreg s5  }
0xab: {  	[dreg:$0x3] =	wrdreg s6  }
0xac: {  	[dreg:$0x4] =	wrdreg $0xC0  }
0xad: {  	_ =	task [dreg:s9], $0x5FFFF  }
0xae: {  	[dreg:$0x1] =	wrdreg $0xFFFFFFFF  }
0xaf: {  	[dreg:$0x0] =	wrdreg $0x60  }
0xb0: {  	[dreg:$0x2] =	wrdreg s2  }
0xb1: {  	[dreg:$0x3] =	wrdreg s19  }
0xb2: {  	[dreg:$0x4] =	wrdreg s4  }
0xb3: {  	[dreg:$0x5] =	wrdreg $0x9  }
0xb4: {  	_ =	task.clear_ibuf [dreg:s9], $0x6FFFF;
	_ =	strace $0x90000046  }
0xb5: {  	s29 =	simm.s32 $0x9;
	_ =	strace $0x80000048  }
0xb6: {  	_ =	swait.ge [sflag:s29], $0x1  }
0xb7: {  	[sflag:s29] =	ssyncadd.s32 $0xFFFFFFFF  }
0xb8: {  	_ =	strace $0x90000048  }
0xb9: {  	_ =	sfence  }
0xba: {  	s30 =	sld [smem:$0x0];
	_ =	sdelay $0x2  }
0xbb: {  	s31 =	sshll.u32 s1, $0xD;
	s1 =	sshrl.u32 s1, $0x2  }
0xbc: {  	s3 =	sand.u32 $0x4000, s31;
	s1 =	sadd.s32 s1, s30  }
0xbd: {  	s0 =	sor.u32 s3, s0;
	s1 =	sshll.u32 s1, $0x11  }
0xbe: {  	s0 =	sor.u32 s1, s0  }
0xbf: {  	s0 =	sadd.s32 $0x8F2B, s0  }
0xc0: {  	[sflag:s0] =	ssyncadd.remote.s32 $0x1  }
0xc1: {  	_ =	sfence.sel $0xFFFF  }
0xc2: {  	[dreg:$0x0] =	wrdreg $0xFFFFFFFF;
	(pc) =	sbr.abs _section_cstart, $3  }
0xc3: {  	[dreg:$0x1] =	wrdreg $0xFFFFFFFF  }
0xc4: {  	_ =	task.clear_ibuf [dreg:s9], $0x2FFFF;
	_ =	strace $0x9FFFFFFF  }
0xc5: {  	(tm) =	ssettm $0x7FFFFFFF  }
tec
execute0_lowered:
.L_overlay_start_1:
0x0: {  	(tag) =	ssettag $0x1  }
0x1: {  	s1 =	rddreg [dreg:$0x0]  }
0x2: {  	s2 =	srdreg.scid;
	s3 =	rddreg [dreg:$0x1]  }
0x3: {  	s0 =	stileid.u32;
	s4 =	rddreg [dreg:$0x2];
	s5 =	simm.s32 $0x0  }
0x4: {  	s13 =	simm.s32 $0x5;
	s14 =	simm.s32 $0x200;
	s15 =	simm.s32 $0x400  }
0x5: {  	s16 =	simm.s32 $0x1800;
	s17 =	simm.s32 $0x7800;
	s18 =	simm.s32 $0x1  }
0x6: {  	s19 =	simm.s32 $0xD800;
	s20 =	simm.s32 $0x2;
	s21 =	simm.s32 $0x4  }
0x7: {  	s22 =	simm.s32 $0x13800;
	s23 =	simm.s32 $0x3;
	s24 =	simm.s32 $0x0  }
0x8: {  	s7 =	sand.u32 $0x1, s2;
	s6 =	sshll.u32 s0, $0x5;
	s2 =	rddreg [dreg:$0x3]  }
.Ltmp0:
0x9: {  	[smem:$0x7FF] =	sst s5;
	s8 =	sshll.u32 s7, $0x4;
	(pc) =	sbr.rel .LBB2_1-.Ltmp0, $4  }
0xa: {  	s31 =	ssub.s32 $0x2, s7;
	_ =	strace $0x80000047;
	s6 =	sor.u32 s8, s6  }
0xb: {  	s7 =	sadd.s32 $0x40, s1;
	s10 =	sshrl.u32 s31, $0x1;
	s9 =	smul.u32 $0x1800, s6  }
0xc: {  	s11 =	ssub.s32 s31, s10;
	s10 =	sadd.s32 $0x40, s4;
	s12 =	sor.u32 $0x1, s6  }
0xd: {  	s11 =	smax.u32 s11, $0x1;
	s8 =	sadd.s32 s1, s9;
	s9 =	sadd.s32 s9, s7  }
.LBB2_12:
0xe: {  	s24 =	sadd.s32 $0x1, s24  }
0xf: {  	_ =	swait.ge [sflag:s23], $0x6000;
	p0 =	sne.s32 s24, s11  }
.Ltmp1:
0x10: {  	[sflag:s23] =	ssyncset.done $0x0;
	(pc) =	sbr.rel @!p0 .LBB2_13-.Ltmp1, $4  }
0x11: {  	[sflag:s23] =	ssyncadd.s32 $0xFFFFA000  }
0x12: {  	_ =	swait.ge [sflag:s21], $0x6000  }
0x13: {  	[sflag:s21] =	ssyncset.done $0x0  }
0x14: {  	[sflag:s21] =	ssyncadd.s32 $0xFFFFA000  }
.LBB2_1:
0x15: {  	[tilespmem:s5], [sflag:$0x5] =	stream.linear.gather [hbm4b:s3+s5], $0x1800, $0x38;
	[tilespmem:$0x19800] =	vst v63  }
0x16: {  	_ =	swait.ge [sflag:s13], $0x1800  }
0x17: {  	[sflag:s13] =	ssyncset.done $0x0  }
0x18: {  	[sflag:s13] =	ssyncadd.s32 $0xFFFFE800  }
0x19: {  	[tilespmem:s16], [sflag:$0x1] =	stream.strided.gather [hbm4b:s8+s14], $0x6000, s15, s14, $0x38;
	[tilespmem:$0x19800] =	vst v63  }
0x1a: {  	s25 =	simm.s32 $0x0  }
0x1b: {  	[tilespmem:s17], [sflag:$0x2] =	stream.strided.gather [hbm4b:s9+s14], $0x6000, s15, s14, $0x38;
	[tilespmem:$0x19800] =	vst v63  }
.LBB2_2:
0x1c: {  	_ =	swait.ge [sflag:s18], $0x6000  }
0x1d: {  	p0 =	seq.s32 s25, $0x0;
	[sflag:s18] =	ssyncset.done $0x0  }
0x1e: {  	s26 =	simm.s32 @!p0 $0x3;
	[sflag:s18] =	ssyncadd.s32 $0xFFFFA000  }
0x1f: {  	_ =	swait.ge @!p0 [sflag:s26], $0x6000  }
0x20: {  	[sflag:s26] =	ssyncset.done @!p0 $0x0  }
0x21: {  	[sflag:s26] =	ssyncadd.s32 @!p0 $0xFFFFA000;
	s26 =	simm.s32 $0x40  }
0x22: {  	v0 =	vld [tilespmem:s26+$0xFFFFFFC0]  }
0x23: {  	v1 =	vld [tilespmem:s26+$0x10]  }
0x24: {  	v3 =	vld [tilespmem:s26+$0xFFFFFFE0]  }
0x25: {  	v2 =	vld [tilespmem:s26+$0x0];
	_ =	sdelay $0x1  }
0x26: {  	v6 =	vld [tilespmem:s26+$0x20]  }
0x27: {  	v7 =	vld [tilespmem:s26+$0xFFFFFFF0];
	v4 =	vshll.u32 v0, $0x2;
	v0 =	vand.u32 $0x7F, v0;
	v5 =	vshll.u32 v1, $0x2  }
0x28: {  	v1 =	vand.u32 $0x7F, v1;
	v9 =	vshll.u32 v3, $0x2;
	v4 =	vand.u32 $0xFFFFFE00, v4  }
0x29: {  	v8 =	vld [tilespmem:s26+$0xFFFFFFD0];
	v3 =	vand.u32 $0x7F, v3;
	v4 =	vor.u32 v0, v4;
	v0 =	vshll.u32 v2, $0x2  }
0x2a: {  	v5 =	vand.u32 $0xFFFFFE00, v5;
	v2 =	vand.u32 $0x7F, v2;
	v0 =	vand.u32 $0xFFFFFE00, v0  }
0x2b: {  	v5 =	vor.u32 v1, v5;
	v0 =	vor.u32 v2, v0;
	v2 =	vand.u32 $0xFFFFFE00, v9;
	v9 =	vld [tilespmem:s26+$0x30]  }
0x2c: {  	v11 =	vand.u32 $0x7F, v7;
	v2 =	vor.u32 v3, v2;
	v3 =	vshll.u32 v6, $0x2  }
0x2d: {  	v1 =	vand.u32 $0x7F, v6;
	v12 =	vor.u32 $0x80, v4;
	v3 =	vand.u32 $0xFFFFFE00, v3  }
0x2e: {  	v6 =	vshll.u32 v7, $0x2;
	v10 =	vld.idx.msk [tilespmem:v4+s16+$0x0], $0xffff;
	v1 =	vor.u32 v1, v3;
	v3 =	vshll.u32 v8, $0x2  }
0x2f: {  	v6 =	vand.u32 $0xFFFFFE00, v6;
	v8 =	vand.u32 $0x7F, v8;
	v3 =	vand.u32 $0xFFFFFE00, v3  }
0x30: {  	v6 =	vor.u32 v11, v6;
	v17 =	vld.idx.msk [tilespmem:v5+s16+$0x0], $0xffff;
	v7 =	vor.u32 v8, v3;
	v3 =	vshll.u32 v9, $0x2  }
0x31: {  	v13 =	vld.idx.msk [tilespmem:v0+s16+$0x0], $0xffff;
	v8 =	vand.u32 $0x7F, v9;
	v3 =	vand.u32 $0xFFFFFE00, v3  }
0x32: {  	s28 =	simm.s32 $0xD900;
	v11 =	vld.idx.msk [tilespmem:v2+s16+$0x0], $0xffff;
	v3 =	vor.u32 v8, v3  }
0x33: {  	v20 =	vor.u32 $0x80, v0;
	[tilespmem:s28+$0xFFFFFF00] =	vst v10;
	v9 =	vld.idx.msk [tilespmem:v1+s16+$0x0], $0xffff  }
0x34: {  	v18 =	vld.idx.msk [tilespmem:v12+s16+$0x0], $0xffff;
	v12 =	vor.u32 $0x80, v5  }
0x35: {  	s29 =	simm.s32 $0x0;
	v15 =	vor.u32 $0x80, v2;
	v16 =	vld.idx.msk [tilespmem:v6+s16+$0x0], $0xffff  }
0x36: {  	s30 =	simm.s32 $0xC0;
	s31 =	simm.s32 $0xD900;
	s26 =	sor.u32 s6, s25;
	v14 =	vor.u32 $0x80, v7;
	v8 =	vor.u32 $0x80, v3;
	v10 =	vor.u32 $0x80, v1;
	v19 =	vld.idx.msk [tilespmem:v7+s16+$0x0], $0xffff  }
.LBB2_3:
0x37: {  	s29 =	sadd.s32 $0x8, s29;
	[tilespmem:s28+$0xFFFFFF40] =	vst v13;
	v13 =	vld.idx.msk [tilespmem:v3+s16+$0x0], $0xffff;
	s31 =	sadd.s32 $0x200, s31  }
0x38: {  	p1 =	slt.u32 s29, $0x178;
	v20 =	vld.idx.msk [tilespmem:v20+s16+$0x0], $0xffff;
	[tilespmem:s28+$0xFFFFFF50] =	vst v17  }
0x39: {  	v17 =	vor.u32 $0x100, v4;
	v12 =	vld.idx.msk [tilespmem:v12+s16+$0x0], $0xffff  }
0x3a: {  	v21 =	vld [tilespmem:s30+$0x10];
	[tilespmem:s28+$0xFFFFFF80] =	vst v18  }
0x3b: {  	v18 =	vld [tilespmem:s30+$0xFFFFFFE0];
	[tilespmem:s28+$0xFFFFFF10] =	vst v19;
	v19 =	vor.u32 $0x80, v6  }
0x3c: {  	v14 =	vld.idx.msk [tilespmem:v14+s16+$0x0], $0xffff;
	[tilespmem:s28+$0xFFFFFF20] =	vst v11  }
0x3d: {  	v11 =	vld.idx.msk [tilespmem:v15+s16+$0x0], $0xffff;
	[tilespmem:s28+$0xFFFFFF70] =	vst v13  }
0x3e: {  	v13 =	vld.idx.msk [tilespmem:v17+s16+$0x0], $0xffff;
	[tilespmem:s28+$0xFFFFFFC0] =	vst v20  }
0x3f: {  	v15 =	vld [tilespmem:s30+$0xFFFFFFF0];
	[tilespmem:s28+$0xFFFFFF30] =	vst v16  }
0x40: {  	v16 =	vld.idx.msk [tilespmem:v19+s16+$0x0], $0xffff;
	[tilespmem:s28+$0xFFFFFFD0] =	vst v12  }
0x41: {  	v12 =	vld [tilespmem:s30+$0xFFFFFFC0];
	[tilespmem:s28+$0xFFFFFF60] =	vst v9  }
0x42: {  	[tilespmem:s28+$0xFFFFFF90] =	vst v14;
	v8 =	vld.idx.msk [tilespmem:v8+s16+$0x0], $0xffff  }
0x43: {  	v9 =	vld [tilespmem:s30+$0x20];
	[tilespmem:s28+$0xFFFFFFA0] =	vst v11;
	v11 =	vor.u32 $0x100, v5  }
0x44: {  	v14 =	vld [tilespmem:s30+$0x30];
	[tilespmem:s28+$0x0] =	vst v13;
	v13 =	vor.u32 $0x100, v7  }
0x45: {  	v19 =	vor.u32 $0x100, v6;
	v17 =	vld [tilespmem:s30+$0xFFFFFFD0]  }
0x46: {  	v20 =	vor.u32 $0x180, v4;
	[tilespmem:s28+$0xFFFFFFB0] =	vst v16;
	v10 =	vld.idx.msk [tilespmem:v10+s16+$0x0], $0xffff  }
0x47: {  	v22 =	vor.u32 $0x100, v2;
	v23 =	vor.u32 $0x180, v5;
	v5 =	vor.u32 $0x100, v1;
	v16 =	vld [tilespmem:s30+$0x0]  }
0x48: {  	v24 =	vor.u32 $0x100, v0;
	v4 =	vshll.u32 v12, $0x2;
	v11 =	vld.idx.msk [tilespmem:v11+s16+$0x0], $0xffff;
	[tilespmem:s28+$0xFFFFFFF0] =	vst v8;
	v8 =	vor.u32 $0x100, v3  }
0x49: {  	v4 =	vand.u32 $0xFFFFFE00, v4;
	v25 =	vand.u32 $0x7F, v14;
	v14 =	vshll.u32 v14, $0x2;
	v13 =	vld.idx.msk [tilespmem:v13+s16+$0x0], $0xffff  }
0x4a: {  	v6 =	vor.u32 $0x180, v6;
	v12 =	vand.u32 $0x7F, v12;
	v14 =	vand.u32 $0xFFFFFE00, v14;
	v19 =	vld.idx.msk [tilespmem:v19+s16+$0x0], $0xffff  }
0x4b: {  	v7 =	vor.u32 $0x180, v7;
	v4 =	vor.u32 v12, v4;
	v12 =	vshll.u32 v21, $0x2;
	v20 =	vld.idx.msk [tilespmem:v20+s16+$0x0], $0xffff  }
0x4c: {  	v26 =	vshll.u32 v15, $0x2;
	v14 =	vor.u32 v25, v14;
	v27 =	vshll.u32 v16, $0x2;
	v22 =	vld.idx.msk [tilespmem:v22+s16+$0x0], $0xffff;
	[tilespmem:s28+$0xFFFFFFE0] =	vst v10  }
0x4d: {  	v21 =	vand.u32 $0x7F, v21;
	v10 =	vand.u32 $0xFFFFFE00, v26;
	v16 =	vand.u32 $0x7F, v16;
	v25 =	vld.idx.msk [tilespmem:v5+s16+$0x0], $0xffff  }
0x4e: {  	v12 =	vand.u32 $0xFFFFFE00, v12;
	v26 =	vor.u32 $0x180, v2;
	v5 =	vand.u32 $0xFFFFFE00, v27;
	[tilespmem:s28+$0x50] =	vst v11;
	v8 =	vld.idx.msk [tilespmem:v8+s16+$0x0], $0xffff  }
0x4f: {  	v2 =	vshll.u32 v18, $0x2;
	v11 =	vor.u32 v16, v5;
	v5 =	vor.u32 v21, v12;
	[tilespmem:s28+$0x10] =	vst v13;
	v12 =	vld.idx.msk [tilespmem:v24+s16+$0x0], $0xffff  }
0x50: {  	v2 =	vand.u32 $0xFFFFFE00, v2;
	v13 =	vor.u32 $0x180, v3;
	v3 =	vmov v14;
	v7 =	vld.idx.msk [tilespmem:v7+s16+$0x0], $0xffff;
	[tilespmem:s28+$0x30] =	vst v19  }
0x51: {  	v14 =	vand.u32 $0x7F, v18;
	v18 =	vor.u32 $0x180, v0;
	v0 =	vmovc v11;
	v19 =	vor.u32 $0x180, v1;
	[tilespmem:s28+$0x80] =	vst v20;
	v16 =	vld.idx.msk [tilespmem:v6+s16+$0x0], $0xffff  }
0x52: {  	v21 =	vor.u32 $0x80, v4;
	v2 =	vor.u32 v14, v2;
	v1 =	vand.u32 $0x7F, v15;
	[tilespmem:s28+$0x20] =	vst v22;
	v11 =	vld.idx.msk [tilespmem:v23+s16+$0x0], $0xffff  }
0x53: {  	v6 =	vor.u32 v1, v10;
	v1 =	vshll.u32 v9, $0x2;
	v10 =	vld.idx.msk [tilespmem:v26+s16+$0x0], $0xffff;
	[tilespmem:s28+$0x60] =	vst v25  }
0x54: {  	v9 =	vand.u32 $0x7F, v9;
	v1 =	vand.u32 $0xFFFFFE00, v1;
	v15 =	vld.idx.msk [tilespmem:v4+s16+$0x0], $0xffff;
	[tilespmem:s28+$0x70] =	vst v8  }
0x55: {  	v1 =	vor.u32 v9, v1;
	[tilespmem:s28+$0x40] =	vst v12;
	v22 =	vld.idx.msk [tilespmem:v13+s16+$0x0], $0xffff  }
0x56: {  	v8 =	vshll.u32 v17, $0x2;
	v12 =	vor.u32 $0x80, v5;
	v13 =	vld.idx.msk [tilespmem:v0+s16+$0x0], $0xffff;
	[tilespmem:s28+$0x90] =	vst v7  }
0x57: {  	v9 =	vand.u32 $0xFFFFFE00, v8;
	v8 =	vor.u32 $0x80, v3;
	v7 =	vand.u32 $0x7F, v17;
	[tilespmem:s28+$0xB0] =	vst v16;
	v16 =	vld.idx.msk [tilespmem:v18+s16+$0x0], $0xffff  }
0x58: {  	v7 =	vor.u32 v7, v9;
	[tilespmem:s28+$0xD0] =	vst v11;
	v23 =	vld.idx.msk [tilespmem:v19+s16+$0x0], $0xffff  }
0x59: {  	v14 =	vor.u32 $0x80, v7;
	v11 =	vld.idx.msk [tilespmem:v2+s16+$0x0], $0xffff  }
.Ltmp2:
0x5a: {  	[tilespmem:s31+$0xFFFFFF00] =	vst v15;
	v15 =	vor.u32 $0x80, v2;
	v17 =	vld.idx.msk [tilespmem:v5+s16+$0x0], $0xffff;
	(pc) =	sbr.rel @p1 .LBB2_3-.Ltmp2, $4  }
0x5b: {  	v20 =	vor.u32 $0x80, v0;
	v9 =	vld.idx.msk [tilespmem:v1+s16+$0x0], $0xffff;
	[tilespmem:s28+$0xF0] =	vst v22  }
0x5c: {  	v18 =	vld.idx.msk [tilespmem:v21+s16+$0x0], $0xffff;
	[tilespmem:s28+$0xA0] =	vst v10  }
0x5d: {  	v19 =	vld.idx.msk [tilespmem:v7+s16+$0x0], $0xffff;
	[tilespmem:s28+$0xC0] =	vst v16  }
0x5e: {  	s30 =	sadd.s32 $0x80, s30;
	v10 =	vor.u32 $0x80, v1;
	v16 =	vld.idx.msk [tilespmem:v6+s16+$0x0], $0xffff;
	[tilespmem:s28+$0xE0] =	vst v23;
	s28 =	smov.u32 s31  }
0x5f: {  	_ =	sdelay $0x1  }
0x60: {  	[tilespmem:s28+$0xFFFFFF40] =	vst v13  }
0x61: {  	[tilespmem:s28+$0xFFFFFF50] =	vst v17  }
0x62: {  	v34 =	vld.idx.msk [tilespmem:v3+s16+$0x0], $0xffff;
	[tilespmem:s28+$0xFFFFFF20] =	vst v11  }
0x63: {  	v36 =	vor.u32 $0x80, v6;
	v35 =	vld.idx.msk [tilespmem:v20+s16+$0x0], $0xffff;
	[tilespmem:s28+$0xFFFFFF60] =	vst v9  }
0x64: {  	v37 =	vor.u32 $0x100, v4;
	v12 =	vld.idx.msk [tilespmem:v12+s16+$0x0], $0xffff;
	[tilespmem:s28+$0xFFFFFF80] =	vst v18  }
0x65: {  	v39 =	vld.idx.msk [tilespmem:v15+s16+$0x0], $0xffff;
	[tilespmem:s28+$0xFFFFFF10] =	vst v19  }
0x66: {  	v40 =	vor.u32 $0x100, v5;
	v9 =	vld.idx.msk [tilespmem:v10+s16+$0x0], $0xffff;
	[tilespmem:s28+$0xFFFFFF30] =	vst v16  }
0x67: {  	v46 =	vor.u32 $0x100, v2;
	v38 =	vld.idx.msk [tilespmem:v14+s16+$0x0], $0xffff;
	[tilespmem:s28+$0xFFFFFF70] =	vst v34  }
0x68: {  	v51 =	vor.u32 $0x100, v0;
	v41 =	vld.idx.msk [tilespmem:v36+s16+$0x0], $0xffff;
	[tilespmem:s28+$0xFFFFFFC0] =	vst v35  }
0x69: {  	v49 =	vor.u32 $0x100, v1;
	v43 =	vld.idx.msk [tilespmem:v37+s16+$0x0], $0xffff;
	[tilespmem:s28+$0xFFFFFFD0] =	vst v12  }
0x6a: {  	v42 =	vor.u32 $0x100, v7;
	v8 =	vld.idx.msk [tilespmem:v8+s16+$0x0], $0xffff;
	[tilespmem:s28+$0xFFFFFFA0] =	vst v39  }
0x6b: {  	v44 =	vor.u32 $0x100, v6;
	v47 =	vld.idx.msk [tilespmem:v40+s16+$0x0], $0xffff;
	[tilespmem:s28+$0xFFFFFFE0] =	vst v9  }
0x6c: {  	v45 =	vor.u32 $0x180, v4;
	v54 =	vld.idx.msk [tilespmem:v46+s16+$0x0], $0xffff;
	[tilespmem:s28+$0xFFFFFF90] =	vst v38  }
0x6d: {  	v48 =	vor.u32 $0x100, v3;
	v60 =	vld.idx.msk [tilespmem:v51+s16+$0x0], $0xffff;
	[tilespmem:s28+$0xFFFFFFB0] =	vst v41  }
0x6e: {  	v55 =	vor.u32 $0x180, v5;
	v57 =	vld.idx.msk [tilespmem:v49+s16+$0x0], $0xffff;
	[tilespmem:s28+$0x0] =	vst v43  }
0x6f: {  	v59 =	vor.u32 $0x180, v2;
	v50 =	vld.idx.msk [tilespmem:v42+s16+$0x0], $0xffff;
	[tilespmem:s28+$0xFFFFFFF0] =	vst v8  }
0x70: {  	v61 =	vor.u32 $0x180, v0;
	v12 =	vld.idx.msk [tilespmem:v44+s16+$0x0], $0xffff;
	[tilespmem:s28+$0x50] =	vst v47  }
0x71: {  	v63 =	vor.u32 $0x180, v1;
	v4 =	vld.idx.msk [tilespmem:v45+s16+$0x0], $0xffff;
	[tilespmem:s28+$0x20] =	vst v54  }
0x72: {  	v52 =	vor.u32 $0x180, v7;
	v56 =	vld.idx.msk [tilespmem:v48+s16+$0x0], $0xffff;
	[tilespmem:s28+$0x40] =	vst v60  }
0x73: {  	v53 =	vor.u32 $0x180, v6;
	v5 =	vld.idx.msk [tilespmem:v55+s16+$0x0], $0xffff;
	[tilespmem:s28+$0x60] =	vst v57  }
0x74: {  	v58 =	vor.u32 $0x180, v3;
	v2 =	vld.idx.msk [tilespmem:v59+s16+$0x0], $0xffff;
	[tilespmem:s28+$0x10] =	vst v50  }
0x75: {  	v0 =	vld.idx.msk [tilespmem:v61+s16+$0x0], $0xffff;
	[tilespmem:s28+$0x30] =	vst v12  }
0x76: {  	v1 =	vld.idx.msk [tilespmem:v63+s16+$0x0], $0xffff;
	[tilespmem:s28+$0x80] =	vst v4  }
0x77: {  	v7 =	vld.idx.msk [tilespmem:v52+s16+$0x0], $0xffff;
	[tilespmem:s28+$0x70] =	vst v56  }
0x78: {  	v62 =	vld.idx.msk [tilespmem:v53+s16+$0x0], $0xffff;
	[tilespmem:s28+$0xD0] =	vst v5  }
0x79: {  	v3 =	vld.idx.msk [tilespmem:v58+s16+$0x0], $0xffff;
	[tilespmem:s28+$0xA0] =	vst v2  }
0x7a: {  	p1 =	sne.s32 s25, $0xF;
	[tilespmem:s28+$0xC0] =	vst v0  }
.Ltmp3:
0x7b: {  	[tilespmem:s28+$0xE0] =	vst v1;
	(pc) =	sbr.rel @p1 .LBB2_6-.Ltmp3, $4  }
0x7c: {  	s26 =	smul.u32 $0x1800, s26;
	[tilespmem:s28+$0x90] =	vst v7  }
0x7d: {  	[tilespmem:s28+$0xB0] =	vst v62  }
0x7e: {  	s31 =	sadd.s32 s4, s26;
	[tilespmem:s28+$0xF0] =	vst v3  }
0x7f: {  	[hbm4b:s31+s14] =	stream.strided.scatter [tilespmem:s19], [sflag:$0x3], $0x6000, s15, s14, $0x38;
	[tilespmem:$0x19800] =	vst v63  }
.Ltmp4:
0x80: {  	(pc) =	sbr.rel .LBB2_7-.Ltmp4, $4  }
0x81: {  	_ = 	snop  }
0x82: {  	_ =	swait.ge [sflag:s20], $0x6000  }
0x83: {  	[sflag:s20] =	ssyncset.done $0x0  }
0x84: {  	[sflag:s20] =	ssyncadd.s32 $0xFFFFA000  }
.LBB2_6:
0x85: {  	s28 =	sadd.s32 s25, s12  }
0x86: {  	s28 =	smul.u32 $0x1800, s28;
	_ =	sdelay $0x1  }
.Ltmp5:
0x87: {  	s28 =	sadd.s32 s1, s28;
	(pc) =	sbr.rel @p0 .LBB2_8-.Ltmp5, $4  }
0x88: {  	[tilespmem:s16], [sflag:$0x1] =	stream.strided.gather [hbm4b:s28+s14], $0x6000, s15, s14, $0x38;
	[tilespmem:$0x19800] =	vst v63  }
0x89: {  	_ =	swait.ge [sflag:s20], $0x6000  }
0x8a: {  	[sflag:s20] =	ssyncset.done $0x0  }
0x8b: {  	[sflag:s20] =	ssyncadd.s32 $0xFFFFA000  }
.LBB2_7:
0x8c: {  	_ =	swait.ge [sflag:s21], $0x6000  }
0x8d: {  	[sflag:s21] =	ssyncset.done $0x0  }
0x8e: {  	[sflag:s21] =	ssyncadd.s32 $0xFFFFA000  }
.LBB2_8:
0x8f: {  	s29 =	simm.s32 $0x40  }
0x90: {  	v0 =	vld [tilespmem:s29+$0x30];
	_ =	sdelay $0x3  }
0x91: {  	v2 =	vld [tilespmem:s29+$0xFFFFFFC0]  }
0x92: {  	v1 =	vshll.u32 v0, $0x2  }
0x93: {  	v0 =	vand.u32 $0x7F, v0;
	v1 =	vand.u32 $0xFFFFFE00, v1  }
0x94: {  	v1 =	vor.u32 v0, v1  }
0x95: {  	v0 =	vadd.s32 $0x6000, v1  }
0x96: {  	v4 =	vshll.u32 v2, $0x2  }
0x97: {  	v9 =	vld [tilespmem:s29+$0xFFFFFFF0];
	v2 =	vand.u32 $0x7F, v2;
	v4 =	vand.u32 $0xFFFFFE00, v4  }
0x98: {  	v4 =	vor.u32 v2, v4;
	v2 =	vld [tilespmem:s29+$0x10]  }
0x99: {  	v5 =	vld [tilespmem:s29+$0xFFFFFFD0]  }
0x9a: {  	v0 =	vld.idx.msk [tilespmem:v0+s16+$0x0], $0xffff  }
0x9b: {  	v3 =	vadd.s32 $0x6080, v1;
	_ =	sdelay $0x1  }
0x9c: {  	v6 =	vld [tilespmem:s29+$0x0];
	v16 =	vand.u32 $0x7F, v9;
	v12 =	vshll.u32 v2, $0x2  }
0x9d: {  	s28 =	simm.s32 $0x139F0;
	v7 =	vld [tilespmem:s29+$0x20];
	v9 =	vshll.u32 v9, $0x2;
	v2 =	vand.u32 $0x7F, v2;
	v12 =	vand.u32 $0xFFFFFE00, v12  }
0x9e: {  	v10 =	vld [tilespmem:s29+$0xFFFFFFE0];
	v17 =	vshll.u32 v5, $0x2;
	v12 =	vor.u32 v2, v12;
	[tilespmem:s28+$0xFFFFFE80] =	vst v0;
	v0 =	vadd.s32 $0x6000, v4  }
0x9f: {  	s30 =	simm.s32 $0xC0;
	v5 =	vand.u32 $0x7F, v5;
	v9 =	vand.u32 $0xFFFFFE00, v9;
	v15 =	vadd.s32 $0x6000, v12;
	v3 =	vld.idx.msk [tilespmem:v3+s16+$0x0], $0xffff  }
0xa0: {  	v53 =	vld [tilespmem:s30+$0x30];
	v17 =	vand.u32 $0xFFFFFE00, v17;
	v9 =	vor.u32 v16, v9;
	v8 =	vadd.s32 $0x6100, v1  }
0xa1: {  	v22 =	vld [tilespmem:s30+$0xFFFFFFC0];
	v17 =	vor.u32 v5, v17;
	v5 =	vadd.s32 $0x6000, v9  }
0xa2: {  	v14 =	vadd.s32 $0x6180, v1;
	v1 =	vld [tilespmem:s30+$0x0]  }
0xa3: {  	v11 =	vld.idx.msk [tilespmem:v0+s16+$0x0], $0xffff  }
0xa4: {  	v13 =	vadd.s32 $0x6080, v4;
	v15 =	vld.idx.msk [tilespmem:v15+s16+$0x0], $0xffff;
	[tilespmem:s28+$0xFFFFFF00] =	vst v3;
	v3 =	vshll.u32 v7, $0x2  }
0xa5: {  	v21 =	vadd.s32 $0x6080, v12;
	v7 =	vand.u32 $0x7F, v7;
	v8 =	vld.idx.msk [tilespmem:v8+s16+$0x0], $0xffff;
	v3 =	vand.u32 $0xFFFFFE00, v3  }
0xa6: {  	v5 =	vld.idx.msk [tilespmem:v5+s16+$0x0], $0xffff;
	v7 =	vor.u32 v7, v3  }
0xa7: {  	v2 =	vld [tilespmem:s30+$0x10];
	v18 =	vadd.s32 $0x6000, v7  }
0xa8: {  	v0 =	vld [tilespmem:s30+$0xFFFFFFD0];
	[tilespmem:s28+$0xFFFFFE10] =	vst v11;
	v11 =	vshll.u32 v6, $0x2  }
0xa9: {  	v19 =	vadd.s32 $0x6000, v17;
	[tilespmem:s28+$0xFFFFFE60] =	vst v15;
	v6 =	vand.u32 $0x7F, v6;
	v13 =	vld.idx.msk [tilespmem:v13+s16+$0x0], $0xffff;
	v11 =	vand.u32 $0xFFFFFE00, v11  }
0xaa: {  	v21 =	vld.idx.msk [tilespmem:v21+s16+$0x0], $0xffff;
	[tilespmem:s28+$0xFFFFFF80] =	vst v8;
	v6 =	vor.u32 v6, v11;
	v8 =	vadd.s32 $0x6100, v4  }
0xab: {  	v11 =	vld.idx.msk [tilespmem:v14+s16+$0x0], $0xffff;
	v14 =	vshll.u32 v10, $0x2;
	v20 =	vadd.s32 $0x6000, v6  }
0xac: {  	v55 =	vadd.s32 $0x6100, v12;
	v10 =	vand.u32 $0x7F, v10;
	v18 =	vld.idx.msk [tilespmem:v18+s16+$0x0], $0xffff;
	v14 =	vand.u32 $0xFFFFFE00, v14  }
0xad: {  	v3 =	vld [tilespmem:s30+$0x20];
	v10 =	vor.u32 v10, v14;
	v14 =	vadd.s32 $0x6080, v7  }
0xae: {  	v23 =	vadd.s32 $0x6000, v10;
	[tilespmem:s28+$0xFFFFFE90] =	vst v13;
	v13 =	vld.idx.msk [tilespmem:v19+s16+$0x0], $0xffff  }
0xaf: {  	v54 =	vadd.s32 $0x6080, v9;
	[tilespmem:s28+$0xFFFFFE40] =	vst v5;
	v8 =	vld.idx.msk [tilespmem:v8+s16+$0x0], $0xffff  }
0xb0: {  	v15 =	vadd.s32 $0x6080, v17;
	[tilespmem:s28+$0xFFFFFEE0] =	vst v21;
	v20 =	vld.idx.msk [tilespmem:v20+s16+$0x0], $0xffff  }
0xb1: {  	v4 =	vadd.s32 $0x6180, v4;
	[tilespmem:s28+$0xFFFFFE70] =	vst v18;
	v18 =	vld.idx.msk [tilespmem:v55+s16+$0x0], $0xffff  }
0xb2: {  	[tilespmem:s28+$0x0] =	vst v11;
	v11 =	vadd.s32 $0x6080, v6;
	v14 =	vld.idx.msk [tilespmem:v14+s16+$0x0], $0xffff  }
0xb3: {  	v56 =	vadd.s32 $0x6100, v7;
	v23 =	vld.idx.msk [tilespmem:v23+s16+$0x0], $0xffff;
	[tilespmem:s28+$0xFFFFFE20] =	vst v13  }
0xb4: {  	v5 =	vshll.u32 v53, $0x2;
	v24 =	vadd.s32 $0x6080, v10;
	v13 =	vld.idx.msk [tilespmem:v54+s16+$0x0], $0xffff;
	[tilespmem:s28+$0xFFFFFF10] =	vst v8  }
0xb5: {  	v57 =	vadd.s32 $0x6100, v9;
	v5 =	vand.u32 $0xFFFFFE00, v5;
	v8 =	vld.idx.msk [tilespmem:v15+s16+$0x0], $0xffff;
	v15 =	vand.u32 $0x7F, v53;
	[tilespmem:s28+$0xFFFFFE50] =	vst v20  }
0xb6: {  	v4 =	vld.idx.msk [tilespmem:v4+s16+$0x0], $0xffff;
	v5 =	vor.u32 v15, v5;
	v15 =	vadd.s32 $0x6100, v17;
	[tilespmem:s28+$0xFFFFFF60] =	vst v18  }
0xb7: {  	v12 =	vadd.s32 $0x6180, v12;
	v11 =	vld.idx.msk [tilespmem:v11+s16+$0x0], $0xffff;
	[tilespmem:s28+$0xFFFFFEF0] =	vst v14  }
0xb8: {  	v58 =	vadd.s32 $0x6000, v5;
	[tilespmem:s28+$0xFFFFFE30] =	vst v23;
	v19 =	vld.idx.msk [tilespmem:v56+s16+$0x0], $0xffff  }
0xb9: {  	v14 =	vadd.s32 $0x6100, v6;
	[tilespmem:s28+$0xFFFFFEC0] =	vst v13;
	v59 =	vld.idx.msk [tilespmem:v24+s16+$0x0], $0xffff  }
0xba: {  	v7 =	vadd.s32 $0x6180, v7;
	[tilespmem:s28+$0xFFFFFEA0] =	vst v8;
	v8 =	vld.idx.msk [tilespmem:v57+s16+$0x0], $0xffff  }
0xbb: {  	v13 =	vadd.s32 $0x6100, v10;
	[tilespmem:s28+$0xFFFFFF90] =	vst v4;
	v4 =	vld.idx.msk [tilespmem:v15+s16+$0x0], $0xffff  }
0xbc: {  	v9 =	vadd.s32 $0x6180, v9;
	v12 =	vld.idx.msk [tilespmem:v12+s16+$0x0], $0xffff;
	[tilespmem:s28+$0xFFFFFED0] =	vst v11  }
0xbd: {  	v15 =	vld.idx.msk [tilespmem:v58+s16+$0x0], $0xffff;
	[tilespmem:s28+$0xFFFFFF70] =	vst v19  }
0xbe: {  	v11 =	vadd.s32 $0x6180, v17;
	v14 =	vld.idx.msk [tilespmem:v14+s16+$0x0], $0xffff;
	[tilespmem:s28+$0xFFFFFEB0] =	vst v59  }
0xbf: {  	v60 =	vadd.s32 $0x6080, v5;
	v62 =	vld.idx.msk [tilespmem:v7+s16+$0x0], $0xffff;
	[tilespmem:s28+$0xFFFFFF40] =	vst v8  }
0xc0: {  	v61 =	vadd.s32 $0x6180, v6;
	v63 =	vld.idx.msk [tilespmem:v13+s16+$0x0], $0xffff;
	[tilespmem:s28+$0xFFFFFF20] =	vst v4;
	v4 =	vshll.u32 v22, $0x2  }
0xc1: {  	s29 =	simm.s32 $0x13BF0;
	[tilespmem:s28+$0xFFFFFFE0] =	vst v12;
	v8 =	vld.idx.msk [tilespmem:v9+s16+$0x0], $0xffff;
	v9 =	vand.u32 $0x7F, v22;
	v4 =	vand.u32 $0xFFFFFE00, v4  }
0xc2: {  	v10 =	vadd.s32 $0x6180, v10;
	v12 =	vld [tilespmem:s30+$0xFFFFFFF0];
	[tilespmem:s29+$0xFFFFFE80] =	vst v15;
	v4 =	vor.u32 v9, v4  }
0xc3: {  	v6 =	vld.idx.msk [tilespmem:v11+s16+$0x0], $0xffff;
	[tilespmem:s28+$0xFFFFFF50] =	vst v14;
	v14 =	vadd.s32 $0x6000, v4  }
0xc4: {  	v11 =	vld.idx.msk [tilespmem:v60+s16+$0x0], $0xffff  }
0xc5: {  	v13 =	vadd.s32 $0x6100, v5;
	v7 =	vld.idx.msk [tilespmem:v61+s16+$0x0], $0xffff;
	[tilespmem:s28+$0xFFFFFFF0] =	vst v62  }
0xc6: {  	s31 =	simm.s32 $0x8;
	v9 =	vld [tilespmem:s30+$0xFFFFFFE0];
	[tilespmem:s28+$0xFFFFFF30] =	vst v63  }
.LBB2_9:
0xc7: {  	s31 =	sadd.s32 $0x8, s31;
	v15 =	vadd.s32 $0x6080, v4;
	v16 =	vshll.u32 v3, $0x2;
	v5 =	vadd.s32 $0x6180, v5;
	v10 =	vld.idx.msk [tilespmem:v10+s16+$0x0], $0xffff  }
0xc8: {  	v17 =	vshll.u32 v2, $0x2;
	v3 =	vand.u32 $0x7F, v3;
	s30 =	sadd.s32 $0x80, s30;
	p0 =	slt.u32 s31, $0x178;
	v14 =	vld.idx.msk [tilespmem:v14+s16+$0x0], $0xffff;
	v16 =	vand.u32 $0xFFFFFE00, v16;
	[tilespmem:s28+$0xFFFFFFC0] =	vst v8  }
0xc9: {  	v18 =	vand.u32 $0x7F, v1;
	v2 =	vand.u32 $0x7F, v2;
	v17 =	vand.u32 $0xFFFFFE00, v17;
	v8 =	vld [tilespmem:s30+$0xFFFFFFD0];
	[tilespmem:s29+$0xFFFFFF00] =	vst v11  }
0xca: {  	v17 =	vor.u32 v2, v17;
	v11 =	vand.u32 $0x7F, v12;
	v12 =	vshll.u32 v12, $0x2;
	v13 =	vld.idx.msk [tilespmem:v13+s16+$0x0], $0xffff;
	[tilespmem:s28+$0xFFFFFFD0] =	vst v7  }
0xcb: {  	v20 =	vadd.s32 $0x6000, v17;
	v7 =	vld [tilespmem:s30+$0x0];
	v19 =	vand.u32 $0x7F, v9;
	v12 =	vand.u32 $0xFFFFFE00, v12;
	[tilespmem:s28+$0xFFFFFFA0] =	vst v6  }
0xcc: {  	v16 =	vor.u32 v3, v16;
	v6 =	vshll.u32 v0, $0x2;
	v9 =	vshll.u32 v9, $0x2;
	v2 =	vld [tilespmem:s30+$0x10]  }
0xcd: {  	v6 =	vand.u32 $0xFFFFFE00, v6;
	v11 =	vor.u32 v11, v12;
	v12 =	vadd.s32 $0x6000, v16;
	v3 =	vld [tilespmem:s30+$0x20];
	[tilespmem:s28+$0xFFFFFFB0] =	vst v10;
	s28 =	smov.u32 s29  }
0xce: {  	v1 =	vshll.u32 v1, $0x2;
	v9 =	vand.u32 $0xFFFFFE00, v9;
	v10 =	vld [tilespmem:s30+$0x30];
	[tilespmem:s29+$0xFFFFFE10] =	vst v14;
	v14 =	vand.u32 $0x7F, v0;
	v0 =	vmovc v8  }
0xcf: {  	v23 =	vand.u32 $0xFFFFFE00, v1;
	v8 =	vld.idx.msk [tilespmem:v15+s16+$0x0], $0xffff;
	v6 =	vor.u32 v14, v6;
	v14 =	vadd.s32 $0x6000, v11  }
0xd0: {  	v18 =	vor.u32 v18, v23;
	v9 =	vor.u32 v19, v9;
	v15 =	vadd.s32 $0x6000, v6;
	v19 =	vld.idx.msk [tilespmem:v20+s16+$0x0], $0xffff;
	[tilespmem:s29+$0xFFFFFF80] =	vst v13  }
0xd1: {  	v21 =	vadd.s32 $0x6000, v18;
	v13 =	vadd.s32 $0x6100, v4;
	v20 =	vadd.s32 $0x6000, v9;
	v1 =	vmovc v7;
	v22 =	vld.idx.msk [tilespmem:v5+s16+$0x0], $0xffff  }
0xd2: {  	v7 =	vadd.s32 $0x6080, v17;
	v12 =	vld.idx.msk [tilespmem:v12+s16+$0x0], $0xffff  }
0xd3: {  	v23 =	vld [tilespmem:s30+$0xFFFFFFC0];
	v5 =	vshll.u32 v10, $0x2  }
0xd4: {  	v24 =	vadd.s32 $0x6080, v16;
	v10 =	vand.u32 $0x7F, v10;
	v5 =	vand.u32 $0xFFFFFE00, v5;
	v14 =	vld.idx.msk [tilespmem:v14+s16+$0x0], $0xffff  }
0xd5: {  	v5 =	vor.u32 v10, v5;
	[tilespmem:s29+$0xFFFFFE90] =	vst v8;
	v8 =	vld.idx.msk [tilespmem:v15+s16+$0x0], $0xffff  }
0xd6: {  	v10 =	vld.idx.msk [tilespmem:v13+s16+$0x0], $0xffff;
	v13 =	vadd.s32 $0x6080, v11;
	[tilespmem:s29+$0xFFFFFE60] =	vst v19  }
0xd7: {  	v15 =	vadd.s32 $0x6180, v4;
	v19 =	vadd.s32 $0x6080, v6;
	v21 =	vld.idx.msk [tilespmem:v21+s16+$0x0], $0xffff;
	[tilespmem:s29+$0x0] =	vst v22  }
0xd8: {  	v25 =	vadd.s32 $0x6080, v18;
	v22 =	vadd.s32 $0x6080, v9;
	v4 =	vshll.u32 v23, $0x2;
	v7 =	vld.idx.msk [tilespmem:v7+s16+$0x0], $0xffff;
	[tilespmem:s29+$0xFFFFFE70] =	vst v12  }
0xd9: {  	v12 =	vand.u32 $0x7F, v23;
	v23 =	vadd.s32 $0x6100, v17;
	v4 =	vand.u32 $0xFFFFFE00, v4;
	v24 =	vld.idx.msk [tilespmem:v24+s16+$0x0], $0xffff  }
0xda: {  	v4 =	vor.u32 v12, v4;
	v12 =	vld.idx.msk [tilespmem:v20+s16+$0x0], $0xffff;
	[tilespmem:s29+$0xFFFFFE40] =	vst v14  }
0xdb: {  	[tilespmem:s29+$0xFFFFFE20] =	vst v8;
	v8 =	vld.idx.msk [tilespmem:v13+s16+$0x0], $0xffff;
	v13 =	vadd.s32 $0x6100, v16  }
0xdc: {  	[tilespmem:s29+$0xFFFFFF10] =	vst v10;
	v10 =	vld.idx.msk [tilespmem:v19+s16+$0x0], $0xffff  }
0xdd: {  	v14 =	vld.idx.msk [tilespmem:v15+s16+$0x0], $0xffff;
	v15 =	vadd.s32 $0x6100, v11;
	[tilespmem:s29+$0xFFFFFE50] =	vst v21  }
0xde: {  	v19 =	vadd.s32 $0x6100, v6;
	v20 =	vld.idx.msk [tilespmem:v25+s16+$0x0], $0xffff;
	[tilespmem:s29+$0xFFFFFEE0] =	vst v7  }
0xdf: {  	v21 =	vadd.s32 $0x6100, v9;
	v7 =	vadd.s32 $0x6000, v5;
	v25 =	vadd.s32 $0x6100, v18;
	v23 =	vld.idx.msk [tilespmem:v23+s16+$0x0], $0xffff;
	[tilespmem:s29+$0xFFFFFEF0] =	vst v24  }
0xe0: {  	[tilespmem:s29+$0xFFFFFE30] =	vst v12;
	v12 =	vld.idx.msk [tilespmem:v13+s16+$0x0], $0xffff  }
0xe1: {  	v13 =	vld.idx.msk [tilespmem:v22+s16+$0x0], $0xffff;
	[tilespmem:s29+$0xFFFFFEC0] =	vst v8;
	v8 =	vadd.s32 $0x6180, v17  }
0xe2: {  	[tilespmem:s29+$0xFFFFFEA0] =	vst v10;
	v15 =	vld.idx.msk [tilespmem:v15+s16+$0x0], $0xffff;
	v10 =	vadd.s32 $0x6180, v16  }
0xe3: {  	[tilespmem:s29+$0xFFFFFF90] =	vst v14;
	v14 =	vld.idx.msk [tilespmem:v19+s16+$0x0], $0xffff  }
0xe4: {  	v11 =	vadd.s32 $0x6180, v11;
	v7 =	vld.idx.msk [tilespmem:v7+s16+$0x0], $0xffff;
	[tilespmem:s29+$0xFFFFFED0] =	vst v20  }
0xe5: {  	v6 =	vadd.s32 $0x6180, v6;
	v16 =	vld.idx.msk [tilespmem:v25+s16+$0x0], $0xffff;
	[tilespmem:s29+$0xFFFFFF60] =	vst v23  }
0xe6: {  	v17 =	vadd.s32 $0x6080, v5;
	v19 =	vld.idx.msk [tilespmem:v8+s16+$0x0], $0xffff;
	[tilespmem:s29+$0xFFFFFF70] =	vst v12  }
0xe7: {  	v12 =	vadd.s32 $0x6180, v18;
	[tilespmem:s29+$0xFFFFFEB0] =	vst v13;
	v18 =	vld.idx.msk [tilespmem:v10+s16+$0x0], $0xffff  }
0xe8: {  	v10 =	vadd.s32 $0x6180, v9;
	v20 =	vld.idx.msk [tilespmem:v21+s16+$0x0], $0xffff;
	[tilespmem:s29+$0xFFFFFF40] =	vst v15  }
0xe9: {  	s29 =	sadd.s32 $0x200, s29;
	[tilespmem:s28+$0xFFFFFF20] =	vst v14;
	v8 =	vld.idx.msk [tilespmem:v11+s16+$0x0], $0xffff  }
.Ltmp6:
0xea: {  	[tilespmem:s29+$0xFFFFFE80] =	vst v7;
	v6 =	vld.idx.msk [tilespmem:v6+s16+$0x0], $0xffff;
	(pc) =	sbr.rel @p0 .LBB2_9-.Ltmp6, $4  }
0xeb: {  	v14 =	vadd.s32 $0x6000, v4;
	v11 =	vld.idx.msk [tilespmem:v17+s16+$0x0], $0xffff;
	[tilespmem:s28+$0xFFFFFF50] =	vst v16  }
0xec: {  	v7 =	vld.idx.msk [tilespmem:v12+s16+$0x0], $0xffff;
	[tilespmem:s28+$0xFFFFFFE0] =	vst v19  }
0xed: {  	v13 =	vadd.s32 $0x6100, v5;
	v12 =	vld [tilespmem:s30+$0xFFFFFFF0];
	[tilespmem:s28+$0xFFFFFFF0] =	vst v18  }
0xee: {  	v9 =	vld [tilespmem:s30+$0xFFFFFFE0];
	[tilespmem:s28+$0xFFFFFF30] =	vst v20  }
0xef: {  	_ =	sdelay $0x1  }
0xf0: {  	v15 =	vadd.s32 $0x6080, v4;
	v16 =	vshll.u32 v3, $0x2;
	v5 =	vadd.s32 $0x6180, v5  }
0xf1: {  	v17 =	vshll.u32 v2, $0x2;
	v21 =	vand.u32 $0x7F, v3;
	v22 =	vand.u32 $0x7F, v2  }
0xf2: {  	v14 =	vld.idx.msk [tilespmem:v14+s16+$0x0], $0xffff;
	v18 =	vshll.u32 v0, $0x2;
	v27 =	vand.u32 $0x7F, v0;
	v17 =	vand.u32 $0xFFFFFE00, v17  }
0xf3: {  	v28 =	vshll.u32 v1, $0x2;
	v30 =	vand.u32 $0x7F, v1;
	[tilespmem:s29+$0xFFFFFF00] =	vst v11;
	v2 =	vor.u32 v22, v17  }
0xf4: {  	v16 =	vand.u32 $0xFFFFFE00, v16;
	v25 =	vand.u32 $0xFFFFFE00, v18;
	v13 =	vld.idx.msk [tilespmem:v13+s16+$0x0], $0xffff;
	v17 =	vadd.s32 $0x6000, v2  }
0xf5: {  	v3 =	vor.u32 v21, v16;
	v0 =	vor.u32 v27, v25;
	v24 =	vshll.u32 v12, $0x2  }
0xf6: {  	v23 =	vand.u32 $0x7F, v12;
	v26 =	vadd.s32 $0x6000, v3;
	v12 =	vand.u32 $0xFFFFFE00, v24  }
0xf7: {  	v10 =	vld.idx.msk [tilespmem:v10+s16+$0x0], $0xffff;
	v35 =	vadd.s32 $0x6100, v4;
	v32 =	vadd.s32 $0x6000, v0;
	v11 =	vor.u32 v23, v12;
	[tilespmem:s29+$0xFFFFFE10] =	vst v14  }
0xf8: {  	[tilespmem:s28+$0xFFFFFFC0] =	vst v8;
	v33 =	vshll.u32 v9, $0x2;
	v14 =	vand.u32 $0xFFFFFE00, v28;
	v29 =	vadd.s32 $0x6000, v11;
	v31 =	vld.idx.msk [tilespmem:v15+s16+$0x0], $0xffff  }
0xf9: {  	v36 =	vand.u32 $0x7F, v9;
	v37 =	vand.u32 $0xFFFFFE00, v33;
	v1 =	vor.u32 v30, v14;
	[tilespmem:s29+$0xFFFFFF80] =	vst v13;
	v34 =	vld.idx.msk [tilespmem:v17+s16+$0x0], $0xffff  }
0xfa: {  	[tilespmem:s28+$0xFFFFFFA0] =	vst v6;
	v39 =	vor.u32 v36, v37;
	v38 =	vadd.s32 $0x6000, v1;
	v5 =	vld.idx.msk [tilespmem:v5+s16+$0x0], $0xffff  }
0xfb: {  	[tilespmem:s28+$0xFFFFFFD0] =	vst v7;
	v42 =	vadd.s32 $0x6000, v39;
	v41 =	vld.idx.msk [tilespmem:v26+s16+$0x0], $0xffff  }
0xfc: {  	v40 =	vadd.s32 $0x6080, v2;
	[tilespmem:s28+$0xFFFFFFB0] =	vst v10;
	v45 =	vld.idx.msk [tilespmem:v32+s16+$0x0], $0xffff  }
0xfd: {  	v44 =	vadd.s32 $0x6080, v3;
	v43 =	vld.idx.msk [tilespmem:v29+s16+$0x0], $0xffff;
	[tilespmem:s29+$0xFFFFFE90] =	vst v31  }
0xfe: {  	v47 =	vadd.s32 $0x6080, v0;
	v13 =	vld.idx.msk [tilespmem:v35+s16+$0x0], $0xffff;
	[tilespmem:s29+$0xFFFFFE60] =	vst v34  }
0xff: {  	v46 =	vadd.s32 $0x6080, v11;
	v17 =	vld.idx.msk [tilespmem:v38+s16+$0x0], $0xffff;
	[tilespmem:s29+$0x0] =	vst v5  }
0x100: {  	v48 =	vadd.s32 $0x6080, v1;
	v50 =	vld.idx.msk [tilespmem:v42+s16+$0x0], $0xffff;
	[tilespmem:s29+$0xFFFFFE70] =	vst v41  }
0x101: {  	v49 =	vadd.s32 $0x6180, v4;
	[tilespmem:s29+$0xFFFFFE20] =	vst v45;
	v7 =	vld.idx.msk [tilespmem:v40+s16+$0x0], $0xffff  }
0x102: {  	v51 =	vadd.s32 $0x6080, v39;
	v52 =	vld.idx.msk [tilespmem:v44+s16+$0x0], $0xffff;
	[tilespmem:s29+$0xFFFFFE40] =	vst v43  }
0x103: {  	v53 =	vadd.s32 $0x6100, v2;
	v14 =	vld.idx.msk [tilespmem:v47+s16+$0x0], $0xffff;
	[tilespmem:s29+$0xFFFFFF10] =	vst v13  }
0x104: {  	v54 =	vadd.s32 $0x6100, v3;
	v15 =	vld.idx.msk [tilespmem:v46+s16+$0x0], $0xffff;
	[tilespmem:s29+$0xFFFFFE50] =	vst v17  }
0x105: {  	v57 =	vadd.s32 $0x6100, v0;
	[tilespmem:s29+$0xFFFFFE30] =	vst v50;
	v5 =	vld.idx.msk [tilespmem:v48+s16+$0x0], $0xffff  }
0x106: {  	v55 =	vadd.s32 $0x6100, v11;
	v4 =	vld.idx.msk [tilespmem:v49+s16+$0x0], $0xffff;
	[tilespmem:s29+$0xFFFFFEE0] =	vst v7  }
0x107: {  	v56 =	vadd.s32 $0x6100, v1;
	v10 =	vld.idx.msk [tilespmem:v51+s16+$0x0], $0xffff;
	[tilespmem:s29+$0xFFFFFEF0] =	vst v52  }
0x108: {  	v58 =	vadd.s32 $0x6100, v39;
	[tilespmem:s29+$0xFFFFFEA0] =	vst v14;
	v8 =	vld.idx.msk [tilespmem:v53+s16+$0x0], $0xffff  }
0x109: {  	v2 =	vadd.s32 $0x6180, v2;
	v13 =	vld.idx.msk [tilespmem:v54+s16+$0x0], $0xffff;
	[tilespmem:s29+$0xFFFFFEC0] =	vst v15  }
0x10a: {  	v3 =	vadd.s32 $0x6180, v3;
	v61 =	vld.idx.msk [tilespmem:v57+s16+$0x0], $0xffff;
	[tilespmem:s29+$0xFFFFFED0] =	vst v5  }
0x10b: {  	v0 =	vadd.s32 $0x6180, v0;
	v59 =	vld.idx.msk [tilespmem:v55+s16+$0x0], $0xffff;
	[tilespmem:s29+$0xFFFFFF90] =	vst v4  }
0x10c: {  	v60 =	vadd.s32 $0x6180, v11;
	[tilespmem:s29+$0xFFFFFEB0] =	vst v10;
	v5 =	vld.idx.msk [tilespmem:v56+s16+$0x0], $0xffff  }
0x10d: {  	v1 =	vadd.s32 $0x6180, v1;
	v62 =	vld.idx.msk [tilespmem:v58+s16+$0x0], $0xffff;
	[tilespmem:s29+$0xFFFFFF60] =	vst v8  }
0x10e: {  	v6 =	vadd.s32 $0x6180, v39;
	[tilespmem:s29+$0xFFFFFF70] =	vst v13;
	v2 =	vld.idx.msk [tilespmem:v2+s16+$0x0], $0xffff  }
0x10f: {  	[tilespmem:s29+$0xFFFFFF20] =	vst v61;
	v3 =	vld.idx.msk [tilespmem:v3+s16+$0x0], $0xffff  }
0x110: {  	v0 =	vld.idx.msk [tilespmem:v0+s16+$0x0], $0xffff;
	[tilespmem:s29+$0xFFFFFF40] =	vst v59  }
0x111: {  	v4 =	vld.idx.msk [tilespmem:v60+s16+$0x0], $0xffff;
	[tilespmem:s29+$0xFFFFFF50] =	vst v5  }
0x112: {  	[tilespmem:s29+$0xFFFFFF30] =	vst v62;
	v1 =	vld.idx.msk [tilespmem:v1+s16+$0x0], $0xffff  }
0x113: {  	v63 =	vld.idx.msk [tilespmem:v6+s16+$0x0], $0xffff;
	[tilespmem:s29+$0xFFFFFFE0] =	vst v2  }
0x114: {  	p0 =	seq.s32 s25, $0xF;
	[tilespmem:s29+$0xFFFFFFF0] =	vst v3  }
.Ltmp7:
0x115: {  	[tilespmem:s29+$0xFFFFFFA0] =	vst v0;
	(pc) =	sbr.rel @p0 .LBB2_12-.Ltmp7, $4  }
0x116: {  	[tilespmem:s29+$0xFFFFFFC0] =	vst v4  }
0x117: {  	[tilespmem:s29+$0xFFFFFFD0] =	vst v1  }
0x118: {  	s26 =	sadd.s32 s26, s10;
	[tilespmem:s29+$0xFFFFFFB0] =	vst v63  }
0x119: {  	[hbm4b:s26+s14] =	stream.strided.scatter [tilespmem:s22], [sflag:$0x4], $0x6000, s15, s14, $0x38;
	[tilespmem:$0x19800] =	vst v63  }
.Ltmp8:
0x11a: {  	s26 =	sadd.s32 s25, s12;
	(pc) =	sbr.rel .LBB2_2-.Ltmp8, $3  }
0x11b: {  	s26 =	smul.u32 $0x1800, s26;
	_ =	sdelay $0x1  }
0x11c: {  	s25 =	sadd.s32 $0x1, s25;
	s26 =	sadd.s32 s26, s7  }
0x11d: {  	[tilespmem:s17], [sflag:$0x2] =	stream.strided.gather [hbm4b:s26+s14], $0x6000, s15, s14, $0x38;
	[tilespmem:$0x19800] =	vst v63  }
.LBB2_13:
0x11e: {  	_ =	sfence.sel $0x180000  }
0x11f: {  	[bflag:$0x0] =	sbarrier.arrive $0xFFFF  }
0x120: {  	p0 =	sne.s32 s0, $0x0;
	_ =	strace $0x90000047  }
0x121: {  	s0 =	sadd.s32 @!p0 $0x100000, s2;
	[bflag:$0x2] =	sbarrier.arrive $0xFFFF  }
0x122: {  	[sflag:s0] =	ssyncadd.tile.s32 @!p0 $0x1;
	_ =	shalt  }
.Lfunc_end2:
_tile_overlayer_lowered:
.L_overlay_start_2:
0x123: {  	(tag) =	ssettag $0x2  }
0x124: {  	s0 =	rddreg [dreg:$0x0];
	s2 =	stileid.u32  }
0x125: {  	s1 =	rddreg [dreg:$0x1];
	p0 =	sne.s32 s2, $0x0  }
0x126: {  	s3 =	rddreg [dreg:$0x2];
	[bflag:$0x3] =	sbarrier.arrive $0xFFFF;
	s2 =	simm.s32 @!p0 $0x1C05  }
0x127: {  	[timem:s3], [sflag:s2] =	dma.local @!p0 [hbm:s0], s1  }
0x128: {  	s0 =	simm.s32 @!p0 $0x5  }
0x129: {  	_ =	swait.ge @!p0 [sflag:s0], s1  }
0x12a: {  	s1 =	ssub.s32 @!p0 $0x0, s1;
	[sflag:s0] =	ssyncset.done @!p0 $0x0  }
0x12b: {  	[sflag:s0] =	ssyncadd.s32 @!p0 s1  }
0x12c: {  	[bflag:$0x3] =	sbarrier.arrive $0xFFFF  }
0x12d: {  	_ =	shalt  }

</sc_bundles>
